<compile_context>
chip_gen: v7x
topology: tpu7x:2x2x1
jax: 0.10.2.dev20260603
libtpu: 0.0.44.dev20260713+nightly
codegen_flags: <defaults>
</compile_context>

<pallas_src>
import functools

import jax
import jax.numpy as jnp
from jax import lax
from jax.experimental import pallas as pl
from jax.experimental.pallas import tpu as pltpu
from jax.experimental.pallas import tpu_sc as plsc

N_NODES_K = 100000
N_EDGES_K = 6400000
NUM_TYPES_K = 64
TBL = NUM_TYPES_K * NUM_TYPES_K
TYPES_W = N_NODES_K // 4

LANES = 16
N_WORKERS = 32
E_PER_W = N_EDGES_K // N_WORKERS
CHUNK = 10000
N_CHUNKS = E_PER_W // CHUNK
UN = 5


def _make_body():
    mesh = plsc.VectorSubcoreMesh(core_axis_name="c", subcore_axis_name="s")

    @functools.partial(
        pl.kernel,
        out_type=jax.ShapeDtypeStruct((N_EDGES_K,), jnp.float32),
        mesh=mesh,
        compiler_params=pltpu.CompilerParams(needs_layout_passes=False),
        scratch_types=[
            pltpu.VMEM((TYPES_W,), jnp.int32),
            pltpu.VMEM((TBL,), jnp.int32),
            pltpu.VMEM((CHUNK,), jnp.int32),
            pltpu.VMEM((CHUNK,), jnp.int32),
            pltpu.VMEM((CHUNK,), jnp.float32),
            pltpu.VMEM((CHUNK,), jnp.float32),
            pltpu.VMEM((CHUNK,), jnp.int32),
            pltpu.VMEM((CHUNK,), jnp.int32),
            pltpu.VMEM((CHUNK,), jnp.float32),
            pltpu.VMEM((CHUNK,), jnp.float32),
            pltpu.SemaphoreType.DMA,
            pltpu.SemaphoreType.DMA,
            pltpu.SemaphoreType.DMA,
            pltpu.SemaphoreType.DMA,
        ],
    )
    def body(idx_c_hbm, idx_n_hbm, energy_hbm, types_hbm, packed_hbm,
             out_hbm, types_v, packed_v,
             icv0, inv0, ev0, ov0, icv1, inv1, ev1, ov1,
             lsem0, lsem1, osem0, osem1):
        cid = lax.axis_index("c")
        sid = lax.axis_index("s")
        wid = sid * 2 + cid
        base_w = wid * E_PER_W

        pltpu.sync_copy(types_hbm, types_v)
        pltpu.sync_copy(packed_hbm, packed_v)

        banks = (
            (icv0, inv0, ev0, ov0, lsem0, osem0),
            (icv1, inv1, ev1, ov1, lsem1, osem1),
        )

        def start_loads(j, b):
            icv, inv, ev, _, lsem, _ = banks[b]
            base = base_w + j * CHUNK
            pltpu.async_copy(idx_c_hbm.at[pl.ds(base, CHUNK)], icv, lsem)
            pltpu.async_copy(idx_n_hbm.at[pl.ds(base, CHUNK)], inv, lsem)
            pltpu.async_copy(energy_hbm.at[pl.ds(base, CHUNK)], ev, lsem)

        def wait_loads(b):
            icv, inv, ev, _, lsem, _ = banks[b]
            pltpu.make_async_copy(idx_c_hbm.at[pl.ds(0, CHUNK)], icv, lsem).wait()
            pltpu.make_async_copy(idx_n_hbm.at[pl.ds(0, CHUNK)], inv, lsem).wait()
            pltpu.make_async_copy(energy_hbm.at[pl.ds(0, CHUNK)], ev, lsem).wait()

        hi_mask = jnp.int32(-65536)

        def compute(j, b, first):
            icv, inv, ev, ov, _, osem = banks[b]

            @pl.when(jnp.logical_not(first))
            def _():
                pltpu.make_async_copy(
                    ov, out_hbm.at[pl.ds(base_w, CHUNK)], osem).wait()

            def vec(i, c2):
                s = i * (LANES * UN)
                ics = [icv[pl.ds(s + k * LANES, LANES)] for k in range(UN)]
                ins = [inv[pl.ds(s + k * LANES, LANES)] for k in range(UN)]
                es = [ev[pl.ds(s + k * LANES, LANES)] for k in range(UN)]
                tws_c = [plsc.load_gather(types_v, [ic >> 2]) for ic in ics]
                tws_n = [plsc.load_gather(types_v, [in_ >> 2]) for in_ in ins]
                tcs = [(w >> ((ic & 3) << 3)) & 63
                       for w, ic in zip(tws_c, ics)]
                tns = [(w >> ((in_ & 3) << 3)) & 63
                       for w, in_ in zip(tws_n, ins)]
                pairs = [tc * NUM_TYPES_K + tn for tc, tn in zip(tcs, tns)]
                pks = [plsc.load_gather(packed_v, [p]) for p in pairs]
                for k in range(UN):
                    scl = plsc.bitcast(pks[k] & hi_mask, jnp.float32)
                    sh = plsc.bitcast(pks[k] << 16, jnp.float32)
                    ov[pl.ds(s + k * LANES, LANES)] = scl * es[k] + sh
                return c2

            lax.fori_loop(0, CHUNK // (LANES * UN), vec, 0)
            pltpu.async_copy(
                ov, out_hbm.at[pl.ds(base_w + j * CHUNK, CHUNK)], osem)

        start_loads(0, 0)
        start_loads(1, 1)

        def outer(i, carry):
            j0 = i * 2
            first = i == 0

            wait_loads(0)
            compute(j0, 0, first)

            @pl.when(j0 + 2 < N_CHUNKS)
            def _():
                start_loads(j0 + 2, 0)

            wait_loads(1)
            compute(j0 + 1, 1, first)

            @pl.when(j0 + 3 < N_CHUNKS)
            def _():
                start_loads(j0 + 3, 1)

            return carry

        lax.fori_loop(0, N_CHUNKS // 2, outer, 0)

        pltpu.make_async_copy(ov0, out_hbm.at[pl.ds(base_w, CHUNK)], osem0).wait()
        pltpu.make_async_copy(ov1, out_hbm.at[pl.ds(base_w, CHUNK)], osem1).wait()

    return body


_body = _make_body()


def kernel(edge_index, atom_types, edge_energy, scales, shifts):
    s16 = jax.lax.bitcast_convert_type(
        scales.astype(jnp.bfloat16), jnp.uint16).astype(jnp.uint32)
    h16 = jax.lax.bitcast_convert_type(
        shifts.astype(jnp.bfloat16), jnp.uint16).astype(jnp.uint32)
    packed = ((s16 << 16) | h16).astype(jnp.int32).reshape(-1)
    t4 = atom_types.reshape(-1, 4).astype(jnp.uint32)
    types_packed = (t4[:, 0] | (t4[:, 1] << 8) | (t4[:, 2] << 16)
                    | (t4[:, 3] << 24)).astype(jnp.int32)
    out = _body(
        edge_index[0],
        edge_index[1],
        edge_energy.reshape(-1),
        types_packed,
        packed,
    )
    return out.reshape(-1, 1)

# --- scband reference (transcript-rebuilt; emitter-appended) ---
"""Pipeline reference for scband-per-edge-species-scale-shift-3298534884217 (READ-ONLY COPY).

The authoritative reference and input builder live on the scoring server;
editing this copy changes nothing except your own understanding.
"""

import jax, jax.numpy as jnp
import numpy as np

N_NODES = 100000
N_EDGES = 6400000
NUM_TYPES = 64


def setup_inputs(seed: int = 0) -> dict:
    key = jax.random.key(seed)
    k1, k2, k3, k4, k5 = jax.random.split(key, 5)
    edge_index = jax.random.randint(k1, (2, N_EDGES), 0, N_NODES, dtype=jnp.int32)
    atom_types = jax.random.randint(k2, (N_NODES,), 0, NUM_TYPES, dtype=jnp.int32)
    edge_energy = jax.random.normal(k3, (N_EDGES, 1), dtype=jnp.float32)
    # Learned per-species-pair parameters (num_types x num_types), initialized
    # around the scalar init values scales=[1.0], shifts=[0.0].
    scales = 1.0 + 0.05 * jax.random.normal(k4, (NUM_TYPES, NUM_TYPES), dtype=jnp.float32)
    shifts = 0.1 * jax.random.normal(k5, (NUM_TYPES, NUM_TYPES), dtype=jnp.float32)
    return {
        "edge_index": edge_index,
        "atom_types": atom_types,
        "edge_energy": edge_energy,
        "scales": scales,
        "shifts": shifts,
    }


def reference(edge_index, atom_types, edge_energy, scales, shifts):
    # edge_center / edge_neighbor
    edge_center = edge_index[0]
    edge_neighbor = edge_index[1]
    species_idx = atom_types.reshape(-1)
    center_species = jnp.take(species_idx, edge_center, axis=0)
    neighbor_species = jnp.take(species_idx, edge_neighbor, axis=0)
    in_field = edge_energy
    # has_scales: per-pair scale gather [E] -> [E,1]
    edge_scales = scales[center_species, neighbor_species].reshape(-1, 1)
    in_field = edge_scales * in_field
    # has_shifts: per-pair shift gather [E] -> [E,1]
    edge_shifts = shifts[center_species, neighbor_species].reshape(-1, 1)
    in_field = edge_shifts + in_field
    return in_field

if __name__ == "__main__":
    import jax
    _d = setup_inputs()
    print(jax.jit(kernel)(*tuple(_d.values())))

</pallas_src>

<mosaic_0001>
#map = affine_map<(d0, d1) -> (0)>
module attributes {stable_mosaic.version = 14 : i64} {
  func.func @body(%arg0: i32, %arg1: i32, %arg2: memref<6400000xi32, #tpu.memory_space<hbm>>, %arg3: memref<6400000xi32, #tpu.memory_space<hbm>>, %arg4: memref<6400000xf32, #tpu.memory_space<hbm>>, %arg5: memref<25000xi32, #tpu.memory_space<hbm>>, %arg6: memref<4096xi32, #tpu.memory_space<hbm>>, %arg7: memref<6400000xf32, #tpu.memory_space<hbm>>, %arg8: memref<25000xi32, #tpu.memory_space<vmem>>, %arg9: memref<4096xi32, #tpu.memory_space<vmem>>, %arg10: memref<10000xi32, #tpu.memory_space<vmem>>, %arg11: memref<10000xi32, #tpu.memory_space<vmem>>, %arg12: memref<10000xf32, #tpu.memory_space<vmem>>, %arg13: memref<10000xf32, #tpu.memory_space<vmem>>, %arg14: memref<10000xi32, #tpu.memory_space<vmem>>, %arg15: memref<10000xi32, #tpu.memory_space<vmem>>, %arg16: memref<10000xf32, #tpu.memory_space<vmem>>, %arg17: memref<10000xf32, #tpu.memory_space<vmem>>, %arg18: memref<!tpu.dma_semaphore, #tpu.memory_space<semaphore_mem>>, %arg19: memref<!tpu.dma_semaphore, #tpu.memory_space<semaphore_mem>>, %arg20: memref<!tpu.dma_semaphore, #tpu.memory_space<semaphore_mem>>, %arg21: memref<!tpu.dma_semaphore, #tpu.memory_space<semaphore_mem>>) attributes {dimension_semantics = [#tpu.dimension_semantics<core_parallel>, #tpu.dimension_semantics<subcore_parallel>], iteration_bounds = array<i64: 2, 16>, scalar_prefetch = 0 : i64, scratch_operands = 14 : i64, tpu.core_type = #tpu.core_type<sc_vector_subcore>, window_params = [{transform_indices = #map}, {transform_indices = #map}, {transform_indices = #map}, {transform_indices = #map}, {transform_indices = #map}, {transform_indices = #map}]} {
    %mul3A = arith.constant 2 : i32
    %mul3A_0 = arith.muli %arg1, %mul3A : i32
    %add3A = arith.addi %mul3A_0, %arg0 : i32
    %mul3A_1 = arith.constant 200000 : i32
    %mul3A_2 = arith.muli %add3A, %mul3A_1 : i32
    "tpu.region"() ({
      %run_scoped3A = tpu.sem_alloc : memref<!tpu.dma_semaphore, #tpu.memory_space<semaphore_mem>>
      tpu.enqueue_dma source(%arg5 : memref<25000xi32, #tpu.memory_space<hbm>>) target(%arg8 : memref<25000xi32, #tpu.memory_space<vmem>>) target_semaphore(%run_scoped3A : memref<!tpu.dma_semaphore, #tpu.memory_space<semaphore_mem>>)
      tpu.wait_dma2 semaphore(%run_scoped3A : memref<!tpu.dma_semaphore, #tpu.memory_space<semaphore_mem>>) src(%arg5 : memref<25000xi32, #tpu.memory_space<hbm>>) dst(%arg8 : memref<25000xi32, #tpu.memory_space<vmem>>)
      tpu.yield
    }) : () -> ()
    "tpu.region"() ({
      %run_scoped3A = tpu.sem_alloc : memref<!tpu.dma_semaphore, #tpu.memory_space<semaphore_mem>>
      tpu.enqueue_dma source(%arg6 : memref<4096xi32, #tpu.memory_space<hbm>>) target(%arg9 : memref<4096xi32, #tpu.memory_space<vmem>>) target_semaphore(%run_scoped3A : memref<!tpu.dma_semaphore, #tpu.memory_space<semaphore_mem>>)
      tpu.wait_dma2 semaphore(%run_scoped3A : memref<!tpu.dma_semaphore, #tpu.memory_space<semaphore_mem>>) src(%arg6 : memref<4096xi32, #tpu.memory_space<hbm>>) dst(%arg9 : memref<4096xi32, #tpu.memory_space<vmem>>)
      tpu.yield
    }) : () -> ()
    %add3A_3 = arith.constant 0 : i32
    %add3A_4 = arith.addi %mul3A_2, %add3A_3 : i32
    %dma_start3A = tpu.memref_slice %arg2[%add3A_4] : memref<6400000xi32, #tpu.memory_space<hbm>> -> memref<10000xi32, #tpu.memory_space<hbm>>
    %dma_start3A_5 = tpu.memref_slice %arg2[%add3A_4] : memref<6400000xi32, #tpu.memory_space<hbm>> -> memref<10000xi32, #tpu.memory_space<hbm>>
    tpu.enqueue_dma source(%dma_start3A_5 : memref<10000xi32, #tpu.memory_space<hbm>>) target(%arg10 : memref<10000xi32, #tpu.memory_space<vmem>>) target_semaphore(%arg18 : memref<!tpu.dma_semaphore, #tpu.memory_space<semaphore_mem>>)
    %dma_start3A_6 = tpu.memref_slice %arg3[%add3A_4] : memref<6400000xi32, #tpu.memory_space<hbm>> -> memref<10000xi32, #tpu.memory_space<hbm>>
    %dma_start3A_7 = tpu.memref_slice %arg3[%add3A_4] : memref<6400000xi32, #tpu.memory_space<hbm>> -> memref<10000xi32, #tpu.memory_space<hbm>>
    tpu.enqueue_dma source(%dma_start3A_7 : memref<10000xi32, #tpu.memory_space<hbm>>) target(%arg11 : memref<10000xi32, #tpu.memory_space<vmem>>) target_semaphore(%arg18 : memref<!tpu.dma_semaphore, #tpu.memory_space<semaphore_mem>>)
    %dma_start3A_8 = tpu.memref_slice %arg4[%add3A_4] : memref<6400000xf32, #tpu.memory_space<hbm>> -> memref<10000xf32, #tpu.memory_space<hbm>>
    %dma_start3A_9 = tpu.memref_slice %arg4[%add3A_4] : memref<6400000xf32, #tpu.memory_space<hbm>> -> memref<10000xf32, #tpu.memory_space<hbm>>
    tpu.enqueue_dma source(%dma_start3A_9 : memref<10000xf32, #tpu.memory_space<hbm>>) target(%arg12 : memref<10000xf32, #tpu.memory_space<vmem>>) target_semaphore(%arg18 : memref<!tpu.dma_semaphore, #tpu.memory_space<semaphore_mem>>)
    %add3A_10 = arith.constant 10000 : i32
    %add3A_11 = arith.addi %mul3A_2, %add3A_10 : i32
    %dma_start3A_12 = tpu.memref_slice %arg2[%add3A_11] : memref<6400000xi32, #tpu.memory_space<hbm>> -> memref<10000xi32, #tpu.memory_space<hbm>>
    %dma_start3A_13 = tpu.memref_slice %arg2[%add3A_11] : memref<6400000xi32, #tpu.memory_space<hbm>> -> memref<10000xi32, #tpu.memory_space<hbm>>
    tpu.enqueue_dma source(%dma_start3A_13 : memref<10000xi32, #tpu.memory_space<hbm>>) target(%arg14 : memref<10000xi32, #tpu.memory_space<vmem>>) target_semaphore(%arg19 : memref<!tpu.dma_semaphore, #tpu.memory_space<semaphore_mem>>)
    %dma_start3A_14 = tpu.memref_slice %arg3[%add3A_11] : memref<6400000xi32, #tpu.memory_space<hbm>> -> memref<10000xi32, #tpu.memory_space<hbm>>
    %dma_start3A_15 = tpu.memref_slice %arg3[%add3A_11] : memref<6400000xi32, #tpu.memory_space<hbm>> -> memref<10000xi32, #tpu.memory_space<hbm>>
    tpu.enqueue_dma source(%dma_start3A_15 : memref<10000xi32, #tpu.memory_space<hbm>>) target(%arg15 : memref<10000xi32, #tpu.memory_space<vmem>>) target_semaphore(%arg19 : memref<!tpu.dma_semaphore, #tpu.memory_space<semaphore_mem>>)
    %dma_start3A_16 = tpu.memref_slice %arg4[%add3A_11] : memref<6400000xf32, #tpu.memory_space<hbm>> -> memref<10000xf32, #tpu.memory_space<hbm>>
    %dma_start3A_17 = tpu.memref_slice %arg4[%add3A_11] : memref<6400000xf32, #tpu.memory_space<hbm>> -> memref<10000xf32, #tpu.memory_space<hbm>>
    tpu.enqueue_dma source(%dma_start3A_17 : memref<10000xf32, #tpu.memory_space<hbm>>) target(%arg16 : memref<10000xf32, #tpu.memory_space<vmem>>) target_semaphore(%arg19 : memref<!tpu.dma_semaphore, #tpu.memory_space<semaphore_mem>>)
    %scan3A = arith.constant 0 : i32
    %scan3A_18 = arith.constant -65536 : i32
    %scan3A_19 = arith.constant 0 : i32
    %scan3A_20 = arith.constant 10 : i32
    %scan3A_21 = arith.addi %scan3A_19, %scan3A_20 : i32
    %scan3A_22 = arith.constant 1 : i32
    scf.for %scan3A_27 = %scan3A_19 to %scan3A_21 step %scan3A_22  : i32 {
      %mul3A_28 = arith.constant 2 : i32
      %mul3A_29 = arith.muli %scan3A_27, %mul3A_28 : i32
      %eq3A = arith.constant 0 : i32
      %eq3A_30 = arith.cmpi eq, %scan3A_27, %eq3A : i32
      %dma_wait3A_31 = arith.constant 0 : i32
      %dma_wait3A_32 = tpu.memref_slice %arg2[%dma_wait3A_31] : memref<6400000xi32, #tpu.memory_space<hbm>> -> memref<10000xi32, #tpu.memory_space<hbm>>
      %dma_wait3A_33 = arith.constant 0 : i32
      %dma_wait3A_34 = tpu.memref_slice %arg2[%dma_wait3A_33] : memref<6400000xi32, #tpu.memory_space<hbm>> -> memref<10000xi32, #tpu.memory_space<hbm>>
      tpu.wait_dma2 semaphore(%arg18 : memref<!tpu.dma_semaphore, #tpu.memory_space<semaphore_mem>>) src(%dma_wait3A_34 : memref<10000xi32, #tpu.memory_space<hbm>>) dst(%arg10 : memref<10000xi32, #tpu.memory_space<vmem>>)
      %dma_wait3A_35 = arith.constant 0 : i32
      %dma_wait3A_36 = tpu.memref_slice %arg3[%dma_wait3A_35] : memref<6400000xi32, #tpu.memory_space<hbm>> -> memref<10000xi32, #tpu.memory_space<hbm>>
      %dma_wait3A_37 = arith.constant 0 : i32
      %dma_wait3A_38 = tpu.memref_slice %arg3[%dma_wait3A_37] : memref<6400000xi32, #tpu.memory_space<hbm>> -> memref<10000xi32, #tpu.memory_space<hbm>>
      tpu.wait_dma2 semaphore(%arg18 : memref<!tpu.dma_semaphore, #tpu.memory_space<semaphore_mem>>) src(%dma_wait3A_38 : memref<10000xi32, #tpu.memory_space<hbm>>) dst(%arg11 : memref<10000xi32, #tpu.memory_space<vmem>>)
      %dma_wait3A_39 = arith.constant 0 : i32
      %dma_wait3A_40 = tpu.memref_slice %arg4[%dma_wait3A_39] : memref<6400000xf32, #tpu.memory_space<hbm>> -> memref<10000xf32, #tpu.memory_space<hbm>>
      %dma_wait3A_41 = arith.constant 0 : i32
      %dma_wait3A_42 = tpu.memref_slice %arg4[%dma_wait3A_41] : memref<6400000xf32, #tpu.memory_space<hbm>> -> memref<10000xf32, #tpu.memory_space<hbm>>
      tpu.wait_dma2 semaphore(%arg18 : memref<!tpu.dma_semaphore, #tpu.memory_space<semaphore_mem>>) src(%dma_wait3A_42 : memref<10000xf32, #tpu.memory_space<hbm>>) dst(%arg12 : memref<10000xf32, #tpu.memory_space<vmem>>)
      %not3A = arith.constant true
      %not3A_43 = arith.xori %eq3A_30, %not3A : i1
      %convert_element_type3A = arith.extui %not3A_43 : i1 to i32
      %cond3A = arith.constant 0 : i32
      %cond3A_44 = arith.cmpi ne, %convert_element_type3A, %cond3A : i32
      scf.if %cond3A_44 {
        %dma_wait3A_99 = tpu.memref_slice %arg7[%mul3A_2] : memref<6400000xf32, #tpu.memory_space<hbm>> -> memref<10000xf32, #tpu.memory_space<hbm>>
        %dma_wait3A_100 = tpu.memref_slice %arg7[%mul3A_2] : memref<6400000xf32, #tpu.memory_space<hbm>> -> memref<10000xf32, #tpu.memory_space<hbm>>
        tpu.wait_dma2 semaphore(%arg20 : memref<!tpu.dma_semaphore, #tpu.memory_space<semaphore_mem>>) src(%arg13 : memref<10000xf32, #tpu.memory_space<vmem>>) dst(%dma_wait3A_100 : memref<10000xf32, #tpu.memory_space<hbm>>)
      } else {
      }
      %scan3A_45 = arith.constant 0 : i32
      %scan3A_46 = arith.constant 0 : i32
      %scan3A_47 = arith.constant 125 : i32
      %scan3A_48 = arith.addi %scan3A_46, %scan3A_47 : i32
      %scan3A_49 = arith.constant 1 : i32
      scf.for %scan3A_99 = %scan3A_46 to %scan3A_48 step %scan3A_49  : i32 {
        %mul3A_100 = arith.constant 80 : i32
        %mul3A_101 = arith.muli %scan3A_99, %mul3A_100 : i32
        %add3A_102 = arith.constant 0 : i32
        %add3A_103 = arith.addi %mul3A_101, %add3A_102 : i32
        %get3A = arith.index_cast %add3A_103 : i32 to index
        %get3A_104 = tpu.vector_load %arg10[%get3A] {strides = array<i32>} : memref<10000xi32, #tpu.memory_space<vmem>>, vector<16xi32>,
        %add3A_105 = arith.constant 16 : i32
        %add3A_106 = arith.addi %mul3A_101, %add3A_105 : i32
        %get3A_107 = arith.index_cast %add3A_106 : i32 to index
        %get3A_108 = tpu.vector_load %arg10[%get3A_107] {strides = array<i32>} : memref<10000xi32, #tpu.memory_space<vmem>>, vector<16xi32>,
        %add3A_109 = arith.constant 32 : i32
        %add3A_110 = arith.addi %mul3A_101, %add3A_109 : i32
        %get3A_111 = arith.index_cast %add3A_110 : i32 to index
        %get3A_112 = tpu.vector_load %arg10[%get3A_111] {strides = array<i32>} : memref<10000xi32, #tpu.memory_space<vmem>>, vector<16xi32>,
        %add3A_113 = arith.constant 48 : i32
        %add3A_114 = arith.addi %mul3A_101, %add3A_113 : i32
        %get3A_115 = arith.index_cast %add3A_114 : i32 to index
        %get3A_116 = tpu.vector_load %arg10[%get3A_115] {strides = array<i32>} : memref<10000xi32, #tpu.memory_space<vmem>>, vector<16xi32>,
        %add3A_117 = arith.constant 64 : i32
        %add3A_118 = arith.addi %mul3A_101, %add3A_117 : i32
        %get3A_119 = arith.index_cast %add3A_118 : i32 to index
        %get3A_120 = tpu.vector_load %arg10[%get3A_119] {strides = array<i32>} : memref<10000xi32, #tpu.memory_space<vmem>>, vector<16xi32>,
        %add3A_121 = arith.constant 0 : i32
        %add3A_122 = arith.addi %mul3A_101, %add3A_121 : i32
        %get3A_123 = arith.index_cast %add3A_122 : i32 to index
        %get3A_124 = tpu.vector_load %arg11[%get3A_123] {strides = array<i32>} : memref<10000xi32, #tpu.memory_space<vmem>>, vector<16xi32>,
        %add3A_125 = arith.constant 16 : i32
        %add3A_126 = arith.addi %mul3A_101, %add3A_125 : i32
        %get3A_127 = arith.index_cast %add3A_126 : i32 to index
        %get3A_128 = tpu.vector_load %arg11[%get3A_127] {strides = array<i32>} : memref<10000xi32, #tpu.memory_space<vmem>>, vector<16xi32>,
        %add3A_129 = arith.constant 32 : i32
        %add3A_130 = arith.addi %mul3A_101, %add3A_129 : i32
        %get3A_131 = arith.index_cast %add3A_130 : i32 to index
        %get3A_132 = tpu.vector_load %arg11[%get3A_131] {strides = array<i32>} : memref<10000xi32, #tpu.memory_space<vmem>>, vector<16xi32>,
        %add3A_133 = arith.constant 48 : i32
        %add3A_134 = arith.addi %mul3A_101, %add3A_133 : i32
        %get3A_135 = arith.index_cast %add3A_134 : i32 to index
        %get3A_136 = tpu.vector_load %arg11[%get3A_135] {strides = array<i32>} : memref<10000xi32, #tpu.memory_space<vmem>>, vector<16xi32>,
        %add3A_137 = arith.constant 64 : i32
        %add3A_138 = arith.addi %mul3A_101, %add3A_137 : i32
        %get3A_139 = arith.index_cast %add3A_138 : i32 to index
        %get3A_140 = tpu.vector_load %arg11[%get3A_139] {strides = array<i32>} : memref<10000xi32, #tpu.memory_space<vmem>>, vector<16xi32>,
        %add3A_141 = arith.constant 0 : i32
        %add3A_142 = arith.addi %mul3A_101, %add3A_141 : i32
        %get3A_143 = arith.index_cast %add3A_142 : i32 to index
        %get3A_144 = tpu.vector_load %arg12[%get3A_143] {strides = array<i32>} : memref<10000xf32, #tpu.memory_space<vmem>>, vector<16xf32>,
        %add3A_145 = arith.constant 16 : i32
        %add3A_146 = arith.addi %mul3A_101, %add3A_145 : i32
        %get3A_147 = arith.index_cast %add3A_146 : i32 to index
        %get3A_148 = tpu.vector_load %arg12[%get3A_147] {strides = array<i32>} : memref<10000xf32, #tpu.memory_space<vmem>>, vector<16xf32>,
        %add3A_149 = arith.constant 32 : i32
        %add3A_150 = arith.addi %mul3A_101, %add3A_149 : i32
        %get3A_151 = arith.index_cast %add3A_150 : i32 to index
        %get3A_152 = tpu.vector_load %arg12[%get3A_151] {strides = array<i32>} : memref<10000xf32, #tpu.memory_space<vmem>>, vector<16xf32>,
        %add3A_153 = arith.constant 48 : i32
        %add3A_154 = arith.addi %mul3A_101, %add3A_153 : i32
        %get3A_155 = arith.index_cast %add3A_154 : i32 to index
        %get3A_156 = tpu.vector_load %arg12[%get3A_155] {strides = array<i32>} : memref<10000xf32, #tpu.memory_space<vmem>>, vector<16xf32>,
        %add3A_157 = arith.constant 64 : i32
        %add3A_158 = arith.addi %mul3A_101, %add3A_157 : i32
        %get3A_159 = arith.index_cast %add3A_158 : i32 to index
        %get3A_160 = tpu.vector_load %arg12[%get3A_159] {strides = array<i32>} : memref<10000xf32, #tpu.memory_space<vmem>>, vector<16xf32>,
        %shift_right_arithmetic3A = arith.constant 2 : i32
        %shift_right_arithmetic3A_161 = vector.broadcast %shift_right_arithmetic3A : i32 to vector<16xi32>
        %shift_right_arithmetic3A_162 = arith.shrsi %get3A_104, %shift_right_arithmetic3A_161 : vector<16xi32>
        %gather3A = tpu.vector_load_idx %arg8[%shift_right_arithmetic3A_162] : memref<25000xi32, #tpu.memory_space<vmem>>[vector<16xi32>], vector<16xi32>,
        %shift_right_arithmetic3A_163 = arith.constant 2 : i32
        %shift_right_arithmetic3A_164 = vector.broadcast %shift_right_arithmetic3A_163 : i32 to vector<16xi32>
        %shift_right_arithmetic3A_165 = arith.shrsi %get3A_108, %shift_right_arithmetic3A_164 : vector<16xi32>
        %gather3A_166 = tpu.vector_load_idx %arg8[%shift_right_arithmetic3A_165] : memref<25000xi32, #tpu.memory_space<vmem>>[vector<16xi32>], vector<16xi32>,
        %shift_right_arithmetic3A_167 = arith.constant 2 : i32
        %shift_right_arithmetic3A_168 = vector.broadcast %shift_right_arithmetic3A_167 : i32 to vector<16xi32>
        %shift_right_arithmetic3A_169 = arith.shrsi %get3A_112, %shift_right_arithmetic3A_168 : vector<16xi32>
        %gather3A_170 = tpu.vector_load_idx %arg8[%shift_right_arithmetic3A_169] : memref<25000xi32, #tpu.memory_space<vmem>>[vector<16xi32>], vector<16xi32>,
        %shift_right_arithmetic3A_171 = arith.constant 2 : i32
        %shift_right_arithmetic3A_172 = vector.broadcast %shift_right_arithmetic3A_171 : i32 to vector<16xi32>
        %shift_right_arithmetic3A_173 = arith.shrsi %get3A_116, %shift_right_arithmetic3A_172 : vector<16xi32>
        %gather3A_174 = tpu.vector_load_idx %arg8[%shift_right_arithmetic3A_173] : memref<25000xi32, #tpu.memory_space<vmem>>[vector<16xi32>], vector<16xi32>,
        %shift_right_arithmetic3A_175 = arith.constant 2 : i32
        %shift_right_arithmetic3A_176 = vector.broadcast %shift_right_arithmetic3A_175 : i32 to vector<16xi32>
        %shift_right_arithmetic3A_177 = arith.shrsi %get3A_120, %shift_right_arithmetic3A_176 : vector<16xi32>
        %gather3A_178 = tpu.vector_load_idx %arg8[%shift_right_arithmetic3A_177] : memref<25000xi32, #tpu.memory_space<vmem>>[vector<16xi32>], vector<16xi32>,
        %shift_right_arithmetic3A_179 = arith.constant 2 : i32
        %shift_right_arithmetic3A_180 = vector.broadcast %shift_right_arithmetic3A_179 : i32 to vector<16xi32>
        %shift_right_arithmetic3A_181 = arith.shrsi %get3A_124, %shift_right_arithmetic3A_180 : vector<16xi32>
        %gather3A_182 = tpu.vector_load_idx %arg8[%shift_right_arithmetic3A_181] : memref<25000xi32, #tpu.memory_space<vmem>>[vector<16xi32>], vector<16xi32>,
        %shift_right_arithmetic3A_183 = arith.constant 2 : i32
        %shift_right_arithmetic3A_184 = vector.broadcast %shift_right_arithmetic3A_183 : i32 to vector<16xi32>
        %shift_right_arithmetic3A_185 = arith.shrsi %get3A_128, %shift_right_arithmetic3A_184 : vector<16xi32>
        %gather3A_186 = tpu.vector_load_idx %arg8[%shift_right_arithmetic3A_185] : memref<25000xi32, #tpu.memory_space<vmem>>[vector<16xi32>], vector<16xi32>,
        %shift_right_arithmetic3A_187 = arith.constant 2 : i32
        %shift_right_arithmetic3A_188 = vector.broadcast %shift_right_arithmetic3A_187 : i32 to vector<16xi32>
        %shift_right_arithmetic3A_189 = arith.shrsi %get3A_132, %shift_right_arithmetic3A_188 : vector<16xi32>
        %gather3A_190 = tpu.vector_load_idx %arg8[%shift_right_arithmetic3A_189] : memref<25000xi32, #tpu.memory_space<vmem>>[vector<16xi32>], vector<16xi32>,
        %shift_right_arithmetic3A_191 = arith.constant 2 : i32
        %shift_right_arithmetic3A_192 = vector.broadcast %shift_right_arithmetic3A_191 : i32 to vector<16xi32>
        %shift_right_arithmetic3A_193 = arith.shrsi %get3A_136, %shift_right_arithmetic3A_192 : vector<16xi32>
        %gather3A_194 = tpu.vector_load_idx %arg8[%shift_right_arithmetic3A_193] : memref<25000xi32, #tpu.memory_space<vmem>>[vector<16xi32>], vector<16xi32>,
        %shift_right_arithmetic3A_195 = arith.constant 2 : i32
        %shift_right_arithmetic3A_196 = vector.broadcast %shift_right_arithmetic3A_195 : i32 to vector<16xi32>
        %shift_right_arithmetic3A_197 = arith.shrsi %get3A_140, %shift_right_arithmetic3A_196 : vector<16xi32>
        %gather3A_198 = tpu.vector_load_idx %arg8[%shift_right_arithmetic3A_197] : memref<25000xi32, #tpu.memory_space<vmem>>[vector<16xi32>], vector<16xi32>,
        %and3A = arith.constant 3 : i32
        %and3A_199 = vector.broadcast %and3A : i32 to vector<16xi32>
        %and3A_200 = arith.andi %get3A_104, %and3A_199 : vector<16xi32>
        %shift_left3A = arith.constant 3 : i32
        %shift_left3A_201 = vector.broadcast %shift_left3A : i32 to vector<16xi32>
        %shift_left3A_202 = arith.shli %and3A_200, %shift_left3A_201 : vector<16xi32>
        %shift_right_arithmetic3A_203 = arith.shrsi %gather3A, %shift_left3A_202 : vector<16xi32>
        %and3A_204 = arith.constant 63 : i32
        %and3A_205 = vector.broadcast %and3A_204 : i32 to vector<16xi32>
        %and3A_206 = arith.andi %shift_right_arithmetic3A_203, %and3A_205 : vector<16xi32>
        %and3A_207 = arith.constant 3 : i32
        %and3A_208 = vector.broadcast %and3A_207 : i32 to vector<16xi32>
        %and3A_209 = arith.andi %get3A_108, %and3A_208 : vector<16xi32>
        %shift_left3A_210 = arith.constant 3 : i32
        %shift_left3A_211 = vector.broadcast %shift_left3A_210 : i32 to vector<16xi32>
        %shift_left3A_212 = arith.shli %and3A_209, %shift_left3A_211 : vector<16xi32>
        %shift_right_arithmetic3A_213 = arith.shrsi %gather3A_166, %shift_left3A_212 : vector<16xi32>
        %and3A_214 = arith.constant 63 : i32
        %and3A_215 = vector.broadcast %and3A_214 : i32 to vector<16xi32>
        %and3A_216 = arith.andi %shift_right_arithmetic3A_213, %and3A_215 : vector<16xi32>
        %and3A_217 = arith.constant 3 : i32
        %and3A_218 = vector.broadcast %and3A_217 : i32 to vector<16xi32>
        %and3A_219 = arith.andi %get3A_112, %and3A_218 : vector<16xi32>
        %shift_left3A_220 = arith.constant 3 : i32
        %shift_left3A_221 = vector.broadcast %shift_left3A_220 : i32 to vector<16xi32>
        %shift_left3A_222 = arith.shli %and3A_219, %shift_left3A_221 : vector<16xi32>
        %shift_right_arithmetic3A_223 = arith.shrsi %gather3A_170, %shift_left3A_222 : vector<16xi32>
        %and3A_224 = arith.constant 63 : i32
        %and3A_225 = vector.broadcast %and3A_224 : i32 to vector<16xi32>
        %and3A_226 = arith.andi %shift_right_arithmetic3A_223, %and3A_225 : vector<16xi32>
        %and3A_227 = arith.constant 3 : i32
        %and3A_228 = vector.broadcast %and3A_227 : i32 to vector<16xi32>
        %and3A_229 = arith.andi %get3A_116, %and3A_228 : vector<16xi32>
        %shift_left3A_230 = arith.constant 3 : i32
        %shift_left3A_231 = vector.broadcast %shift_left3A_230 : i32 to vector<16xi32>
        %shift_left3A_232 = arith.shli %and3A_229, %shift_left3A_231 : vector<16xi32>
        %shift_right_arithmetic3A_233 = arith.shrsi %gather3A_174, %shift_left3A_232 : vector<16xi32>
        %and3A_234 = arith.constant 63 : i32
        %and3A_235 = vector.broadcast %and3A_234 : i32 to vector<16xi32>
        %and3A_236 = arith.andi %shift_right_arithmetic3A_233, %and3A_235 : vector<16xi32>
        %and3A_237 = arith.constant 3 : i32
        %and3A_238 = vector.broadcast %and3A_237 : i32 to vector<16xi32>
        %and3A_239 = arith.andi %get3A_120, %and3A_238 : vector<16xi32>
        %shift_left3A_240 = arith.constant 3 : i32
        %shift_left3A_241 = vector.broadcast %shift_left3A_240 : i32 to vector<16xi32>
        %shift_left3A_242 = arith.shli %and3A_239, %shift_left3A_241 : vector<16xi32>
        %shift_right_arithmetic3A_243 = arith.shrsi %gather3A_178, %shift_left3A_242 : vector<16xi32>
        %and3A_244 = arith.constant 63 : i32
        %and3A_245 = vector.broadcast %and3A_244 : i32 to vector<16xi32>
        %and3A_246 = arith.andi %shift_right_arithmetic3A_243, %and3A_245 : vector<16xi32>
        %and3A_247 = arith.constant 3 : i32
        %and3A_248 = vector.broadcast %and3A_247 : i32 to vector<16xi32>
        %and3A_249 = arith.andi %get3A_124, %and3A_248 : vector<16xi32>
        %shift_left3A_250 = arith.constant 3 : i32
        %shift_left3A_251 = vector.broadcast %shift_left3A_250 : i32 to vector<16xi32>
        %shift_left3A_252 = arith.shli %and3A_249, %shift_left3A_251 : vector<16xi32>
        %shift_right_arithmetic3A_253 = arith.shrsi %gather3A_182, %shift_left3A_252 : vector<16xi32>
        %and3A_254 = arith.constant 63 : i32
        %and3A_255 = vector.broadcast %and3A_254 : i32 to vector<16xi32>
        %and3A_256 = arith.andi %shift_right_arithmetic3A_253, %and3A_255 : vector<16xi32>
        %and3A_257 = arith.constant 3 : i32
        %and3A_258 = vector.broadcast %and3A_257 : i32 to vector<16xi32>
        %and3A_259 = arith.andi %get3A_128, %and3A_258 : vector<16xi32>
        %shift_left3A_260 = arith.constant 3 : i32
        %shift_left3A_261 = vector.broadcast %shift_left3A_260 : i32 to vector<16xi32>
        %shift_left3A_262 = arith.shli %and3A_259, %shift_left3A_261 : vector<16xi32>
        %shift_right_arithmetic3A_263 = arith.shrsi %gather3A_186, %shift_left3A_262 : vector<16xi32>
        %and3A_264 = arith.constant 63 : i32
        %and3A_265 = vector.broadcast %and3A_264 : i32 to vector<16xi32>
        %and3A_266 = arith.andi %shift_right_arithmetic3A_263, %and3A_265 : vector<16xi32>
        %and3A_267 = arith.constant 3 : i32
        %and3A_268 = vector.broadcast %and3A_267 : i32 to vector<16xi32>
        %and3A_269 = arith.andi %get3A_132, %and3A_268 : vector<16xi32>
        %shift_left3A_270 = arith.constant 3 : i32
        %shift_left3A_271 = vector.broadcast %shift_left3A_270 : i32 to vector<16xi32>
        %shift_left3A_272 = arith.shli %and3A_269, %shift_left3A_271 : vector<16xi32>
        %shift_right_arithmetic3A_273 = arith.shrsi %gather3A_190, %shift_left3A_272 : vector<16xi32>
        %and3A_274 = arith.constant 63 : i32
        %and3A_275 = vector.broadcast %and3A_274 : i32 to vector<16xi32>
        %and3A_276 = arith.andi %shift_right_arithmetic3A_273, %and3A_275 : vector<16xi32>
        %and3A_277 = arith.constant 3 : i32
        %and3A_278 = vector.broadcast %and3A_277 : i32 to vector<16xi32>
        %and3A_279 = arith.andi %get3A_136, %and3A_278 : vector<16xi32>
        %shift_left3A_280 = arith.constant 3 : i32
        %shift_left3A_281 = vector.broadcast %shift_left3A_280 : i32 to vector<16xi32>
        %shift_left3A_282 = arith.shli %and3A_279, %shift_left3A_281 : vector<16xi32>
        %shift_right_arithmetic3A_283 = arith.shrsi %gather3A_194, %shift_left3A_282 : vector<16xi32>
        %and3A_284 = arith.constant 63 : i32
        %and3A_285 = vector.broadcast %and3A_284 : i32 to vector<16xi32>
        %and3A_286 = arith.andi %shift_right_arithmetic3A_283, %and3A_285 : vector<16xi32>
        %and3A_287 = arith.constant 3 : i32
        %and3A_288 = vector.broadcast %and3A_287 : i32 to vector<16xi32>
        %and3A_289 = arith.andi %get3A_140, %and3A_288 : vector<16xi32>
        %shift_left3A_290 = arith.constant 3 : i32
        %shift_left3A_291 = vector.broadcast %shift_left3A_290 : i32 to vector<16xi32>
        %shift_left3A_292 = arith.shli %and3A_289, %shift_left3A_291 : vector<16xi32>
        %shift_right_arithmetic3A_293 = arith.shrsi %gather3A_198, %shift_left3A_292 : vector<16xi32>
        %and3A_294 = arith.constant 63 : i32
        %and3A_295 = vector.broadcast %and3A_294 : i32 to vector<16xi32>
        %and3A_296 = arith.andi %shift_right_arithmetic3A_293, %and3A_295 : vector<16xi32>
        %mul3A_297 = arith.constant 64 : i32
        %mul3A_298 = vector.broadcast %mul3A_297 : i32 to vector<16xi32>
        %mul3A_299 = arith.muli %and3A_206, %mul3A_298 : vector<16xi32>
        %add3A_300 = arith.addi %mul3A_299, %and3A_256 : vector<16xi32>
        %mul3A_301 = arith.constant 64 : i32
        %mul3A_302 = vector.broadcast %mul3A_301 : i32 to vector<16xi32>
        %mul3A_303 = arith.muli %and3A_216, %mul3A_302 : vector<16xi32>
        %add3A_304 = arith.addi %mul3A_303, %and3A_266 : vector<16xi32>
        %mul3A_305 = arith.constant 64 : i32
        %mul3A_306 = vector.broadcast %mul3A_305 : i32 to vector<16xi32>
        %mul3A_307 = arith.muli %and3A_226, %mul3A_306 : vector<16xi32>
        %add3A_308 = arith.addi %mul3A_307, %and3A_276 : vector<16xi32>
        %mul3A_309 = arith.constant 64 : i32
        %mul3A_310 = vector.broadcast %mul3A_309 : i32 to vector<16xi32>
        %mul3A_311 = arith.muli %and3A_236, %mul3A_310 : vector<16xi32>
        %add3A_312 = arith.addi %mul3A_311, %and3A_286 : vector<16xi32>
        %mul3A_313 = arith.constant 64 : i32
        %mul3A_314 = vector.broadcast %mul3A_313 : i32 to vector<16xi32>
        %mul3A_315 = arith.muli %and3A_246, %mul3A_314 : vector<16xi32>
        %add3A_316 = arith.addi %mul3A_315, %and3A_296 : vector<16xi32>
        %gather3A_317 = tpu.vector_load_idx %arg9[%add3A_300] : memref<4096xi32, #tpu.memory_space<vmem>>[vector<16xi32>], vector<16xi32>,
        %gather3A_318 = tpu.vector_load_idx %arg9[%add3A_304] : memref<4096xi32, #tpu.memory_space<vmem>>[vector<16xi32>], vector<16xi32>,
        %gather3A_319 = tpu.vector_load_idx %arg9[%add3A_308] : memref<4096xi32, #tpu.memory_space<vmem>>[vector<16xi32>], vector<16xi32>,
        %gather3A_320 = tpu.vector_load_idx %arg9[%add3A_312] : memref<4096xi32, #tpu.memory_space<vmem>>[vector<16xi32>], vector<16xi32>,
        %gather3A_321 = tpu.vector_load_idx %arg9[%add3A_316] : memref<4096xi32, #tpu.memory_space<vmem>>[vector<16xi32>], vector<16xi32>,
        %and3A_322 = vector.broadcast %scan3A_18 : i32 to vector<16xi32>
        %and3A_323 = arith.andi %gather3A_317, %and3A_322 : vector<16xi32>
        %bitcast3A = vector.bitcast %and3A_323 : vector<16xi32> to vector<16xf32>
        %shift_left3A_324 = arith.constant 16 : i32
        %shift_left3A_325 = vector.broadcast %shift_left3A_324 : i32 to vector<16xi32>
        %shift_left3A_326 = arith.shli %gather3A_317, %shift_left3A_325 : vector<16xi32>
        %bitcast3A_327 = vector.bitcast %shift_left3A_326 : vector<16xi32> to vector<16xf32>
        %mul3A_328 = arith.mulf %bitcast3A, %get3A_144 : vector<16xf32>
        %add3A_329 = arith.addf %mul3A_328, %bitcast3A_327 : vector<16xf32>
        %add3A_330 = arith.constant 0 : i32
        %add3A_331 = arith.addi %mul3A_101, %add3A_330 : i32
        %swap3A = arith.index_cast %add3A_331 : i32 to index
        %swap3A_332 = tpu.vector_load %arg13[%swap3A] {strides = array<i32>} : memref<10000xf32, #tpu.memory_space<vmem>>, vector<16xf32>,
        tpu.vector_store %arg13[%swap3A], %add3A_329 {strides = array<i32>} : memref<10000xf32, #tpu.memory_space<vmem>>, vector<16xf32>,
        %and3A_333 = vector.broadcast %scan3A_18 : i32 to vector<16xi32>
        %and3A_334 = arith.andi %gather3A_318, %and3A_333 : vector<16xi32>
        %bitcast3A_335 = vector.bitcast %and3A_334 : vector<16xi32> to vector<16xf32>
        %shift_left3A_336 = arith.constant 16 : i32
        %shift_left3A_337 = vector.broadcast %shift_left3A_336 : i32 to vector<16xi32>
        %shift_left3A_338 = arith.shli %gather3A_318, %shift_left3A_337 : vector<16xi32>
        %bitcast3A_339 = vector.bitcast %shift_left3A_338 : vector<16xi32> to vector<16xf32>
        %mul3A_340 = arith.mulf %bitcast3A_335, %get3A_148 : vector<16xf32>
        %add3A_341 = arith.addf %mul3A_340, %bitcast3A_339 : vector<16xf32>
        %add3A_342 = arith.constant 16 : i32
        %add3A_343 = arith.addi %mul3A_101, %add3A_342 : i32
        %swap3A_344 = arith.index_cast %add3A_343 : i32 to index
        %swap3A_345 = tpu.vector_load %arg13[%swap3A_344] {strides = array<i32>} : memref<10000xf32, #tpu.memory_space<vmem>>, vector<16xf32>,
        tpu.vector_store %arg13[%swap3A_344], %add3A_341 {strides = array<i32>} : memref<10000xf32, #tpu.memory_space<vmem>>, vector<16xf32>,
        %and3A_346 = vector.broadcast %scan3A_18 : i32 to vector<16xi32>
        %and3A_347 = arith.andi %gather3A_319, %and3A_346 : vector<16xi32>
        %bitcast3A_348 = vector.bitcast %and3A_347 : vector<16xi32> to vector<16xf32>
        %shift_left3A_349 = arith.constant 16 : i32
        %shift_left3A_350 = vector.broadcast %shift_left3A_349 : i32 to vector<16xi32>
        %shift_left3A_351 = arith.shli %gather3A_319, %shift_left3A_350 : vector<16xi32>
        %bitcast3A_352 = vector.bitcast %shift_left3A_351 : vector<16xi32> to vector<16xf32>
        %mul3A_353 = arith.mulf %bitcast3A_348, %get3A_152 : vector<16xf32>
        %add3A_354 = arith.addf %mul3A_353, %bitcast3A_352 : vector<16xf32>
        %add3A_355 = arith.constant 32 : i32
        %add3A_356 = arith.addi %mul3A_101, %add3A_355 : i32
        %swap3A_357 = arith.index_cast %add3A_356 : i32 to index
        %swap3A_358 = tpu.vector_load %arg13[%swap3A_357] {strides = array<i32>} : memref<10000xf32, #tpu.memory_space<vmem>>, vector<16xf32>,
        tpu.vector_store %arg13[%swap3A_357], %add3A_354 {strides = array<i32>} : memref<10000xf32, #tpu.memory_space<vmem>>, vector<16xf32>,
        %and3A_359 = vector.broadcast %scan3A_18 : i32 to vector<16xi32>
        %and3A_360 = arith.andi %gather3A_320, %and3A_359 : vector<16xi32>
        %bitcast3A_361 = vector.bitcast %and3A_360 : vector<16xi32> to vector<16xf32>
        %shift_left3A_362 = arith.constant 16 : i32
        %shift_left3A_363 = vector.broadcast %shift_left3A_362 : i32 to vector<16xi32>
        %shift_left3A_364 = arith.shli %gather3A_320, %shift_left3A_363 : vector<16xi32>
        %bitcast3A_365 = vector.bitcast %shift_left3A_364 : vector<16xi32> to vector<16xf32>
        %mul3A_366 = arith.mulf %bitcast3A_361, %get3A_156 : vector<16xf32>
        %add3A_367 = arith.addf %mul3A_366, %bitcast3A_365 : vector<16xf32>
        %add3A_368 = arith.constant 48 : i32
        %add3A_369 = arith.addi %mul3A_101, %add3A_368 : i32
        %swap3A_370 = arith.index_cast %add3A_369 : i32 to index
        %swap3A_371 = tpu.vector_load %arg13[%swap3A_370] {strides = array<i32>} : memref<10000xf32, #tpu.memory_space<vmem>>, vector<16xf32>,
        tpu.vector_store %arg13[%swap3A_370], %add3A_367 {strides = array<i32>} : memref<10000xf32, #tpu.memory_space<vmem>>, vector<16xf32>,
        %and3A_372 = vector.broadcast %scan3A_18 : i32 to vector<16xi32>
        %and3A_373 = arith.andi %gather3A_321, %and3A_372 : vector<16xi32>
        %bitcast3A_374 = vector.bitcast %and3A_373 : vector<16xi32> to vector<16xf32>
        %shift_left3A_375 = arith.constant 16 : i32
        %shift_left3A_376 = vector.broadcast %shift_left3A_375 : i32 to vector<16xi32>
        %shift_left3A_377 = arith.shli %gather3A_321, %shift_left3A_376 : vector<16xi32>
        %bitcast3A_378 = vector.bitcast %shift_left3A_377 : vector<16xi32> to vector<16xf32>
        %mul3A_379 = arith.mulf %bitcast3A_374, %get3A_160 : vector<16xf32>
        %add3A_380 = arith.addf %mul3A_379, %bitcast3A_378 : vector<16xf32>
        %add3A_381 = arith.constant 64 : i32
        %add3A_382 = arith.addi %mul3A_101, %add3A_381 : i32
        %swap3A_383 = arith.index_cast %add3A_382 : i32 to index
        %swap3A_384 = tpu.vector_load %arg13[%swap3A_383] {strides = array<i32>} : memref<10000xf32, #tpu.memory_space<vmem>>, vector<16xf32>,
        tpu.vector_store %arg13[%swap3A_383], %add3A_380 {strides = array<i32>} : memref<10000xf32, #tpu.memory_space<vmem>>, vector<16xf32>,
      }
      %scan3A_50 = arith.constant 125 : i32
      %mul3A_51 = arith.constant 10000 : i32
      %mul3A_52 = arith.muli %mul3A_29, %mul3A_51 : i32
      %add3A_53 = arith.addi %mul3A_2, %mul3A_52 : i32
      %dma_start3A_54 = tpu.memref_slice %arg7[%add3A_53] : memref<6400000xf32, #tpu.memory_space<hbm>> -> memref<10000xf32, #tpu.memory_space<hbm>>
      %dma_start3A_55 = tpu.memref_slice %arg7[%add3A_53] : memref<6400000xf32, #tpu.memory_space<hbm>> -> memref<10000xf32, #tpu.memory_space<hbm>>
      tpu.enqueue_dma source(%arg13 : memref<10000xf32, #tpu.memory_space<vmem>>) target(%dma_start3A_55 : memref<10000xf32, #tpu.memory_space<hbm>>) target_semaphore(%arg20 : memref<!tpu.dma_semaphore, #tpu.memory_space<semaphore_mem>>)
      %add3A_56 = arith.constant 2 : i32
      %add3A_57 = arith.addi %mul3A_29, %add3A_56 : i32
      %lt3A = arith.constant 20 : i32
      %lt3A_58 = arith.cmpi slt, %add3A_57, %lt3A : i32
      %convert_element_type3A_59 = arith.extui %lt3A_58 : i1 to i32
      %cond3A_60 = arith.constant 0 : i32
      %cond3A_61 = arith.cmpi ne, %convert_element_type3A_59, %cond3A_60 : i32
      scf.if %cond3A_61 {
        %add3A_99 = arith.constant 2 : i32
        %add3A_100 = arith.addi %mul3A_29, %add3A_99 : i32
        %mul3A_101 = arith.constant 10000 : i32
        %mul3A_102 = arith.muli %add3A_100, %mul3A_101 : i32
        %add3A_103 = arith.addi %mul3A_2, %mul3A_102 : i32
        %dma_start3A_104 = tpu.memref_slice %arg2[%add3A_103] : memref<6400000xi32, #tpu.memory_space<hbm>> -> memref<10000xi32, #tpu.memory_space<hbm>>
        %dma_start3A_105 = tpu.memref_slice %arg2[%add3A_103] : memref<6400000xi32, #tpu.memory_space<hbm>> -> memref<10000xi32, #tpu.memory_space<hbm>>
        tpu.enqueue_dma source(%dma_start3A_105 : memref<10000xi32, #tpu.memory_space<hbm>>) target(%arg10 : memref<10000xi32, #tpu.memory_space<vmem>>) target_semaphore(%arg18 : memref<!tpu.dma_semaphore, #tpu.memory_space<semaphore_mem>>)
        %dma_start3A_106 = tpu.memref_slice %arg3[%add3A_103] : memref<6400000xi32, #tpu.memory_space<hbm>> -> memref<10000xi32, #tpu.memory_space<hbm>>
        %dma_start3A_107 = tpu.memref_slice %arg3[%add3A_103] : memref<6400000xi32, #tpu.memory_space<hbm>> -> memref<10000xi32, #tpu.memory_space<hbm>>
        tpu.enqueue_dma source(%dma_start3A_107 : memref<10000xi32, #tpu.memory_space<hbm>>) target(%arg11 : memref<10000xi32, #tpu.memory_space<vmem>>) target_semaphore(%arg18 : memref<!tpu.dma_semaphore, #tpu.memory_space<semaphore_mem>>)
        %dma_start3A_108 = tpu.memref_slice %arg4[%add3A_103] : memref<6400000xf32, #tpu.memory_space<hbm>> -> memref<10000xf32, #tpu.memory_space<hbm>>
        %dma_start3A_109 = tpu.memref_slice %arg4[%add3A_103] : memref<6400000xf32, #tpu.memory_space<hbm>> -> memref<10000xf32, #tpu.memory_space<hbm>>
        tpu.enqueue_dma source(%dma_start3A_109 : memref<10000xf32, #tpu.memory_space<hbm>>) target(%arg12 : memref<10000xf32, #tpu.memory_space<vmem>>) target_semaphore(%arg18 : memref<!tpu.dma_semaphore, #tpu.memory_space<semaphore_mem>>)
      } else {
      }
      %dma_wait3A_62 = arith.constant 0 : i32
      %dma_wait3A_63 = tpu.memref_slice %arg2[%dma_wait3A_62] : memref<6400000xi32, #tpu.memory_space<hbm>> -> memref<10000xi32, #tpu.memory_space<hbm>>
      %dma_wait3A_64 = arith.constant 0 : i32
      %dma_wait3A_65 = tpu.memref_slice %arg2[%dma_wait3A_64] : memref<6400000xi32, #tpu.memory_space<hbm>> -> memref<10000xi32, #tpu.memory_space<hbm>>
      tpu.wait_dma2 semaphore(%arg19 : memref<!tpu.dma_semaphore, #tpu.memory_space<semaphore_mem>>) src(%dma_wait3A_65 : memref<10000xi32, #tpu.memory_space<hbm>>) dst(%arg14 : memref<10000xi32, #tpu.memory_space<vmem>>)
      %dma_wait3A_66 = arith.constant 0 : i32
      %dma_wait3A_67 = tpu.memref_slice %arg3[%dma_wait3A_66] : memref<6400000xi32, #tpu.memory_space<hbm>> -> memref<10000xi32, #tpu.memory_space<hbm>>
      %dma_wait3A_68 = arith.constant 0 : i32
      %dma_wait3A_69 = tpu.memref_slice %arg3[%dma_wait3A_68] : memref<6400000xi32, #tpu.memory_space<hbm>> -> memref<10000xi32, #tpu.memory_space<hbm>>
      tpu.wait_dma2 semaphore(%arg19 : memref<!tpu.dma_semaphore, #tpu.memory_space<semaphore_mem>>) src(%dma_wait3A_69 : memref<10000xi32, #tpu.memory_space<hbm>>) dst(%arg15 : memref<10000xi32, #tpu.memory_space<vmem>>)
      %dma_wait3A_70 = arith.constant 0 : i32
      %dma_wait3A_71 = tpu.memref_slice %arg4[%dma_wait3A_70] : memref<6400000xf32, #tpu.memory_space<hbm>> -> memref<10000xf32, #tpu.memory_space<hbm>>
      %dma_wait3A_72 = arith.constant 0 : i32
      %dma_wait3A_73 = tpu.memref_slice %arg4[%dma_wait3A_72] : memref<6400000xf32, #tpu.memory_space<hbm>> -> memref<10000xf32, #tpu.memory_space<hbm>>
      tpu.wait_dma2 semaphore(%arg19 : memref<!tpu.dma_semaphore, #tpu.memory_space<semaphore_mem>>) src(%dma_wait3A_73 : memref<10000xf32, #tpu.memory_space<hbm>>) dst(%arg16 : memref<10000xf32, #tpu.memory_space<vmem>>)
      %add3A_74 = arith.constant 1 : i32
      %add3A_75 = arith.addi %mul3A_29, %add3A_74 : i32
      %not3A_76 = arith.constant true
      %not3A_77 = arith.xori %eq3A_30, %not3A_76 : i1
      %convert_element_type3A_78 = arith.extui %not3A_77 : i1 to i32
      %cond3A_79 = arith.constant 0 : i32
      %cond3A_80 = arith.cmpi ne, %convert_element_type3A_78, %cond3A_79 : i32
      scf.if %cond3A_80 {
        %dma_wait3A_99 = tpu.memref_slice %arg7[%mul3A_2] : memref<6400000xf32, #tpu.memory_space<hbm>> -> memref<10000xf32, #tpu.memory_space<hbm>>
        %dma_wait3A_100 = tpu.memref_slice %arg7[%mul3A_2] : memref<6400000xf32, #tpu.memory_space<hbm>> -> memref<10000xf32, #tpu.memory_space<hbm>>
        tpu.wait_dma2 semaphore(%arg21 : memref<!tpu.dma_semaphore, #tpu.memory_space<semaphore_mem>>) src(%arg17 : memref<10000xf32, #tpu.memory_space<vmem>>) dst(%dma_wait3A_100 : memref<10000xf32, #tpu.memory_space<hbm>>)
      } else {
      }
      %scan3A_81 = arith.constant 0 : i32
      %scan3A_82 = arith.constant 0 : i32
      %scan3A_83 = arith.constant 125 : i32
      %scan3A_84 = arith.addi %scan3A_82, %scan3A_83 : i32
      %scan3A_85 = arith.constant 1 : i32
      scf.for %scan3A_99 = %scan3A_82 to %scan3A_84 step %scan3A_85  : i32 {
        %mul3A_100 = arith.constant 80 : i32
        %mul3A_101 = arith.muli %scan3A_99, %mul3A_100 : i32
        %add3A_102 = arith.constant 0 : i32
        %add3A_103 = arith.addi %mul3A_101, %add3A_102 : i32
        %get3A = arith.index_cast %add3A_103 : i32 to index
        %get3A_104 = tpu.vector_load %arg14[%get3A] {strides = array<i32>} : memref<10000xi32, #tpu.memory_space<vmem>>, vector<16xi32>,
        %add3A_105 = arith.constant 16 : i32
        %add3A_106 = arith.addi %mul3A_101, %add3A_105 : i32
        %get3A_107 = arith.index_cast %add3A_106 : i32 to index
        %get3A_108 = tpu.vector_load %arg14[%get3A_107] {strides = array<i32>} : memref<10000xi32, #tpu.memory_space<vmem>>, vector<16xi32>,
        %add3A_109 = arith.constant 32 : i32
        %add3A_110 = arith.addi %mul3A_101, %add3A_109 : i32
        %get3A_111 = arith.index_cast %add3A_110 : i32 to index
        %get3A_112 = tpu.vector_load %arg14[%get3A_111] {strides = array<i32>} : memref<10000xi32, #tpu.memory_space<vmem>>, vector<16xi32>,
        %add3A_113 = arith.constant 48 : i32
        %add3A_114 = arith.addi %mul3A_101, %add3A_113 : i32
        %get3A_115 = arith.index_cast %add3A_114 : i32 to index
        %get3A_116 = tpu.vector_load %arg14[%get3A_115] {strides = array<i32>} : memref<10000xi32, #tpu.memory_space<vmem>>, vector<16xi32>,
        %add3A_117 = arith.constant 64 : i32
        %add3A_118 = arith.addi %mul3A_101, %add3A_117 : i32
        %get3A_119 = arith.index_cast %add3A_118 : i32 to index
        %get3A_120 = tpu.vector_load %arg14[%get3A_119] {strides = array<i32>} : memref<10000xi32, #tpu.memory_space<vmem>>, vector<16xi32>,
        %add3A_121 = arith.constant 0 : i32
        %add3A_122 = arith.addi %mul3A_101, %add3A_121 : i32
        %get3A_123 = arith.index_cast %add3A_122 : i32 to index
        %get3A_124 = tpu.vector_load %arg15[%get3A_123] {strides = array<i32>} : memref<10000xi32, #tpu.memory_space<vmem>>, vector<16xi32>,
        %add3A_125 = arith.constant 16 : i32
        %add3A_126 = arith.addi %mul3A_101, %add3A_125 : i32
        %get3A_127 = arith.index_cast %add3A_126 : i32 to index
        %get3A_128 = tpu.vector_load %arg15[%get3A_127] {strides = array<i32>} : memref<10000xi32, #tpu.memory_space<vmem>>, vector<16xi32>,
        %add3A_129 = arith.constant 32 : i32
        %add3A_130 = arith.addi %mul3A_101, %add3A_129 : i32
        %get3A_131 = arith.index_cast %add3A_130 : i32 to index
        %get3A_132 = tpu.vector_load %arg15[%get3A_131] {strides = array<i32>} : memref<10000xi32, #tpu.memory_space<vmem>>, vector<16xi32>,
        %add3A_133 = arith.constant 48 : i32
        %add3A_134 = arith.addi %mul3A_101, %add3A_133 : i32
        %get3A_135 = arith.index_cast %add3A_134 : i32 to index
        %get3A_136 = tpu.vector_load %arg15[%get3A_135] {strides = array<i32>} : memref<10000xi32, #tpu.memory_space<vmem>>, vector<16xi32>,
        %add3A_137 = arith.constant 64 : i32
        %add3A_138 = arith.addi %mul3A_101, %add3A_137 : i32
        %get3A_139 = arith.index_cast %add3A_138 : i32 to index
        %get3A_140 = tpu.vector_load %arg15[%get3A_139] {strides = array<i32>} : memref<10000xi32, #tpu.memory_space<vmem>>, vector<16xi32>,
        %add3A_141 = arith.constant 0 : i32
        %add3A_142 = arith.addi %mul3A_101, %add3A_141 : i32
        %get3A_143 = arith.index_cast %add3A_142 : i32 to index
        %get3A_144 = tpu.vector_load %arg16[%get3A_143] {strides = array<i32>} : memref<10000xf32, #tpu.memory_space<vmem>>, vector<16xf32>,
        %add3A_145 = arith.constant 16 : i32
        %add3A_146 = arith.addi %mul3A_101, %add3A_145 : i32
        %get3A_147 = arith.index_cast %add3A_146 : i32 to index
        %get3A_148 = tpu.vector_load %arg16[%get3A_147] {strides = array<i32>} : memref<10000xf32, #tpu.memory_space<vmem>>, vector<16xf32>,
        %add3A_149 = arith.constant 32 : i32
        %add3A_150 = arith.addi %mul3A_101, %add3A_149 : i32
        %get3A_151 = arith.index_cast %add3A_150 : i32 to index
        %get3A_152 = tpu.vector_load %arg16[%get3A_151] {strides = array<i32>} : memref<10000xf32, #tpu.memory_space<vmem>>, vector<16xf32>,
        %add3A_153 = arith.constant 48 : i32
        %add3A_154 = arith.addi %mul3A_101, %add3A_153 : i32
        %get3A_155 = arith.index_cast %add3A_154 : i32 to index
        %get3A_156 = tpu.vector_load %arg16[%get3A_155] {strides = array<i32>} : memref<10000xf32, #tpu.memory_space<vmem>>, vector<16xf32>,
        %add3A_157 = arith.constant 64 : i32
        %add3A_158 = arith.addi %mul3A_101, %add3A_157 : i32
        %get3A_159 = arith.index_cast %add3A_158 : i32 to index
        %get3A_160 = tpu.vector_load %arg16[%get3A_159] {strides = array<i32>} : memref<10000xf32, #tpu.memory_space<vmem>>, vector<16xf32>,
        %shift_right_arithmetic3A = arith.constant 2 : i32
        %shift_right_arithmetic3A_161 = vector.broadcast %shift_right_arithmetic3A : i32 to vector<16xi32>
        %shift_right_arithmetic3A_162 = arith.shrsi %get3A_104, %shift_right_arithmetic3A_161 : vector<16xi32>
        %gather3A = tpu.vector_load_idx %arg8[%shift_right_arithmetic3A_162] : memref<25000xi32, #tpu.memory_space<vmem>>[vector<16xi32>], vector<16xi32>,
        %shift_right_arithmetic3A_163 = arith.constant 2 : i32
        %shift_right_arithmetic3A_164 = vector.broadcast %shift_right_arithmetic3A_163 : i32 to vector<16xi32>
        %shift_right_arithmetic3A_165 = arith.shrsi %get3A_108, %shift_right_arithmetic3A_164 : vector<16xi32>
        %gather3A_166 = tpu.vector_load_idx %arg8[%shift_right_arithmetic3A_165] : memref<25000xi32, #tpu.memory_space<vmem>>[vector<16xi32>], vector<16xi32>,
        %shift_right_arithmetic3A_167 = arith.constant 2 : i32
        %shift_right_arithmetic3A_168 = vector.broadcast %shift_right_arithmetic3A_167 : i32 to vector<16xi32>
        %shift_right_arithmetic3A_169 = arith.shrsi %get3A_112, %shift_right_arithmetic3A_168 : vector<16xi32>
        %gather3A_170 = tpu.vector_load_idx %arg8[%shift_right_arithmetic3A_169] : memref<25000xi32, #tpu.memory_space<vmem>>[vector<16xi32>], vector<16xi32>,
        %shift_right_arithmetic3A_171 = arith.constant 2 : i32
        %shift_right_arithmetic3A_172 = vector.broadcast %shift_right_arithmetic3A_171 : i32 to vector<16xi32>
        %shift_right_arithmetic3A_173 = arith.shrsi %get3A_116, %shift_right_arithmetic3A_172 : vector<16xi32>
        %gather3A_174 = tpu.vector_load_idx %arg8[%shift_right_arithmetic3A_173] : memref<25000xi32, #tpu.memory_space<vmem>>[vector<16xi32>], vector<16xi32>,
        %shift_right_arithmetic3A_175 = arith.constant 2 : i32
        %shift_right_arithmetic3A_176 = vector.broadcast %shift_right_arithmetic3A_175 : i32 to vector<16xi32>
        %shift_right_arithmetic3A_177 = arith.shrsi %get3A_120, %shift_right_arithmetic3A_176 : vector<16xi32>
        %gather3A_178 = tpu.vector_load_idx %arg8[%shift_right_arithmetic3A_177] : memref<25000xi32, #tpu.memory_space<vmem>>[vector<16xi32>], vector<16xi32>,
        %shift_right_arithmetic3A_179 = arith.constant 2 : i32
        %shift_right_arithmetic3A_180 = vector.broadcast %shift_right_arithmetic3A_179 : i32 to vector<16xi32>
        %shift_right_arithmetic3A_181 = arith.shrsi %get3A_124, %shift_right_arithmetic3A_180 : vector<16xi32>
        %gather3A_182 = tpu.vector_load_idx %arg8[%shift_right_arithmetic3A_181] : memref<25000xi32, #tpu.memory_space<vmem>>[vector<16xi32>], vector<16xi32>,
        %shift_right_arithmetic3A_183 = arith.constant 2 : i32
        %shift_right_arithmetic3A_184 = vector.broadcast %shift_right_arithmetic3A_183 : i32 to vector<16xi32>
        %shift_right_arithmetic3A_185 = arith.shrsi %get3A_128, %shift_right_arithmetic3A_184 : vector<16xi32>
        %gather3A_186 = tpu.vector_load_idx %arg8[%shift_right_arithmetic3A_185] : memref<25000xi32, #tpu.memory_space<vmem>>[vector<16xi32>], vector<16xi32>,
        %shift_right_arithmetic3A_187 = arith.constant 2 : i32
        %shift_right_arithmetic3A_188 = vector.broadcast %shift_right_arithmetic3A_187 : i32 to vector<16xi32>
        %shift_right_arithmetic3A_189 = arith.shrsi %get3A_132, %shift_right_arithmetic3A_188 : vector<16xi32>
        %gather3A_190 = tpu.vector_load_idx %arg8[%shift_right_arithmetic3A_189] : memref<25000xi32, #tpu.memory_space<vmem>>[vector<16xi32>], vector<16xi32>,
        %shift_right_arithmetic3A_191 = arith.constant 2 : i32
        %shift_right_arithmetic3A_192 = vector.broadcast %shift_right_arithmetic3A_191 : i32 to vector<16xi32>
        %shift_right_arithmetic3A_193 = arith.shrsi %get3A_136, %shift_right_arithmetic3A_192 : vector<16xi32>
        %gather3A_194 = tpu.vector_load_idx %arg8[%shift_right_arithmetic3A_193] : memref<25000xi32, #tpu.memory_space<vmem>>[vector<16xi32>], vector<16xi32>,
        %shift_right_arithmetic3A_195 = arith.constant 2 : i32
        %shift_right_arithmetic3A_196 = vector.broadcast %shift_right_arithmetic3A_195 : i32 to vector<16xi32>
        %shift_right_arithmetic3A_197 = arith.shrsi %get3A_140, %shift_right_arithmetic3A_196 : vector<16xi32>
        %gather3A_198 = tpu.vector_load_idx %arg8[%shift_right_arithmetic3A_197] : memref<25000xi32, #tpu.memory_space<vmem>>[vector<16xi32>], vector<16xi32>,
        %and3A = arith.constant 3 : i32
        %and3A_199 = vector.broadcast %and3A : i32 to vector<16xi32>
        %and3A_200 = arith.andi %get3A_104, %and3A_199 : vector<16xi32>
        %shift_left3A = arith.constant 3 : i32
        %shift_left3A_201 = vector.broadcast %shift_left3A : i32 to vector<16xi32>
        %shift_left3A_202 = arith.shli %and3A_200, %shift_left3A_201 : vector<16xi32>
        %shift_right_arithmetic3A_203 = arith.shrsi %gather3A, %shift_left3A_202 : vector<16xi32>
        %and3A_204 = arith.constant 63 : i32
        %and3A_205 = vector.broadcast %and3A_204 : i32 to vector<16xi32>
        %and3A_206 = arith.andi %shift_right_arithmetic3A_203, %and3A_205 : vector<16xi32>
        %and3A_207 = arith.constant 3 : i32
        %and3A_208 = vector.broadcast %and3A_207 : i32 to vector<16xi32>
        %and3A_209 = arith.andi %get3A_108, %and3A_208 : vector<16xi32>
        %shift_left3A_210 = arith.constant 3 : i32
        %shift_left3A_211 = vector.broadcast %shift_left3A_210 : i32 to vector<16xi32>
        %shift_left3A_212 = arith.shli %and3A_209, %shift_left3A_211 : vector<16xi32>
        %shift_right_arithmetic3A_213 = arith.shrsi %gather3A_166, %shift_left3A_212 : vector<16xi32>
        %and3A_214 = arith.constant 63 : i32
        %and3A_215 = vector.broadcast %and3A_214 : i32 to vector<16xi32>
        %and3A_216 = arith.andi %shift_right_arithmetic3A_213, %and3A_215 : vector<16xi32>
        %and3A_217 = arith.constant 3 : i32
        %and3A_218 = vector.broadcast %and3A_217 : i32 to vector<16xi32>
        %and3A_219 = arith.andi %get3A_112, %and3A_218 : vector<16xi32>
        %shift_left3A_220 = arith.constant 3 : i32
        %shift_left3A_221 = vector.broadcast %shift_left3A_220 : i32 to vector<16xi32>
        %shift_left3A_222 = arith.shli %and3A_219, %shift_left3A_221 : vector<16xi32>
        %shift_right_arithmetic3A_223 = arith.shrsi %gather3A_170, %shift_left3A_222 : vector<16xi32>
        %and3A_224 = arith.constant 63 : i32
        %and3A_225 = vector.broadcast %and3A_224 : i32 to vector<16xi32>
        %and3A_226 = arith.andi %shift_right_arithmetic3A_223, %and3A_225 : vector<16xi32>
        %and3A_227 = arith.constant 3 : i32
        %and3A_228 = vector.broadcast %and3A_227 : i32 to vector<16xi32>
        %and3A_229 = arith.andi %get3A_116, %and3A_228 : vector<16xi32>
        %shift_left3A_230 = arith.constant 3 : i32
        %shift_left3A_231 = vector.broadcast %shift_left3A_230 : i32 to vector<16xi32>
        %shift_left3A_232 = arith.shli %and3A_229, %shift_left3A_231 : vector<16xi32>
        %shift_right_arithmetic3A_233 = arith.shrsi %gather3A_174, %shift_left3A_232 : vector<16xi32>
        %and3A_234 = arith.constant 63 : i32
        %and3A_235 = vector.broadcast %and3A_234 : i32 to vector<16xi32>
        %and3A_236 = arith.andi %shift_right_arithmetic3A_233, %and3A_235 : vector<16xi32>
        %and3A_237 = arith.constant 3 : i32
        %and3A_238 = vector.broadcast %and3A_237 : i32 to vector<16xi32>
        %and3A_239 = arith.andi %get3A_120, %and3A_238 : vector<16xi32>
        %shift_left3A_240 = arith.constant 3 : i32
        %shift_left3A_241 = vector.broadcast %shift_left3A_240 : i32 to vector<16xi32>
        %shift_left3A_242 = arith.shli %and3A_239, %shift_left3A_241 : vector<16xi32>
        %shift_right_arithmetic3A_243 = arith.shrsi %gather3A_178, %shift_left3A_242 : vector<16xi32>
        %and3A_244 = arith.constant 63 : i32
        %and3A_245 = vector.broadcast %and3A_244 : i32 to vector<16xi32>
        %and3A_246 = arith.andi %shift_right_arithmetic3A_243, %and3A_245 : vector<16xi32>
        %and3A_247 = arith.constant 3 : i32
        %and3A_248 = vector.broadcast %and3A_247 : i32 to vector<16xi32>
        %and3A_249 = arith.andi %get3A_124, %and3A_248 : vector<16xi32>
        %shift_left3A_250 = arith.constant 3 : i32
        %shift_left3A_251 = vector.broadcast %shift_left3A_250 : i32 to vector<16xi32>
        %shift_left3A_252 = arith.shli %and3A_249, %shift_left3A_251 : vector<16xi32>
        %shift_right_arithmetic3A_253 = arith.shrsi %gather3A_182, %shift_left3A_252 : vector<16xi32>
        %and3A_254 = arith.constant 63 : i32
        %and3A_255 = vector.broadcast %and3A_254 : i32 to vector<16xi32>
        %and3A_256 = arith.andi %shift_right_arithmetic3A_253, %and3A_255 : vector<16xi32>
        %and3A_257 = arith.constant 3 : i32
        %and3A_258 = vector.broadcast %and3A_257 : i32 to vector<16xi32>
        %and3A_259 = arith.andi %get3A_128, %and3A_258 : vector<16xi32>
        %shift_left3A_260 = arith.constant 3 : i32
        %shift_left3A_261 = vector.broadcast %shift_left3A_260 : i32 to vector<16xi32>
        %shift_left3A_262 = arith.shli %and3A_259, %shift_left3A_261 : vector<16xi32>
        %shift_right_arithmetic3A_263 = arith.shrsi %gather3A_186, %shift_left3A_262 : vector<16xi32>
        %and3A_264 = arith.constant 63 : i32
        %and3A_265 = vector.broadcast %and3A_264 : i32 to vector<16xi32>
        %and3A_266 = arith.andi %shift_right_arithmetic3A_263, %and3A_265 : vector<16xi32>
        %and3A_267 = arith.constant 3 : i32
        %and3A_268 = vector.broadcast %and3A_267 : i32 to vector<16xi32>
        %and3A_269 = arith.andi %get3A_132, %and3A_268 : vector<16xi32>
        %shift_left3A_270 = arith.constant 3 : i32
        %shift_left3A_271 = vector.broadcast %shift_left3A_270 : i32 to vector<16xi32>
        %shift_left3A_272 = arith.shli %and3A_269, %shift_left3A_271 : vector<16xi32>
        %shift_right_arithmetic3A_273 = arith.shrsi %gather3A_190, %shift_left3A_272 : vector<16xi32>
        %and3A_274 = arith.constant 63 : i32
        %and3A_275 = vector.broadcast %and3A_274 : i32 to vector<16xi32>
        %and3A_276 = arith.andi %shift_right_arithmetic3A_273, %and3A_275 : vector<16xi32>
        %and3A_277 = arith.constant 3 : i32
        %and3A_278 = vector.broadcast %and3A_277 : i32 to vector<16xi32>
        %and3A_279 = arith.andi %get3A_136, %and3A_278 : vector<16xi32>
        %shift_left3A_280 = arith.constant 3 : i32
        %shift_left3A_281 = vector.broadcast %shift_left3A_280 : i32 to vector<16xi32>
        %shift_left3A_282 = arith.shli %and3A_279, %shift_left3A_281 : vector<16xi32>
        %shift_right_arithmetic3A_283 = arith.shrsi %gather3A_194, %shift_left3A_282 : vector<16xi32>
        %and3A_284 = arith.constant 63 : i32
        %and3A_285 = vector.broadcast %and3A_284 : i32 to vector<16xi32>
        %and3A_286 = arith.andi %shift_right_arithmetic3A_283, %and3A_285 : vector<16xi32>
        %and3A_287 = arith.constant 3 : i32
        %and3A_288 = vector.broadcast %and3A_287 : i32 to vector<16xi32>
        %and3A_289 = arith.andi %get3A_140, %and3A_288 : vector<16xi32>
        %shift_left3A_290 = arith.constant 3 : i32
        %shift_left3A_291 = vector.broadcast %shift_left3A_290 : i32 to vector<16xi32>
        %shift_left3A_292 = arith.shli %and3A_289, %shift_left3A_291 : vector<16xi32>
        %shift_right_arithmetic3A_293 = arith.shrsi %gather3A_198, %shift_left3A_292 : vector<16xi32>
        %and3A_294 = arith.constant 63 : i32
        %and3A_295 = vector.broadcast %and3A_294 : i32 to vector<16xi32>
        %and3A_296 = arith.andi %shift_right_arithmetic3A_293, %and3A_295 : vector<16xi32>
        %mul3A_297 = arith.constant 64 : i32
        %mul3A_298 = vector.broadcast %mul3A_297 : i32 to vector<16xi32>
        %mul3A_299 = arith.muli %and3A_206, %mul3A_298 : vector<16xi32>
        %add3A_300 = arith.addi %mul3A_299, %and3A_256 : vector<16xi32>
        %mul3A_301 = arith.constant 64 : i32
        %mul3A_302 = vector.broadcast %mul3A_301 : i32 to vector<16xi32>
        %mul3A_303 = arith.muli %and3A_216, %mul3A_302 : vector<16xi32>
        %add3A_304 = arith.addi %mul3A_303, %and3A_266 : vector<16xi32>
        %mul3A_305 = arith.constant 64 : i32
        %mul3A_306 = vector.broadcast %mul3A_305 : i32 to vector<16xi32>
        %mul3A_307 = arith.muli %and3A_226, %mul3A_306 : vector<16xi32>
        %add3A_308 = arith.addi %mul3A_307, %and3A_276 : vector<16xi32>
        %mul3A_309 = arith.constant 64 : i32
        %mul3A_310 = vector.broadcast %mul3A_309 : i32 to vector<16xi32>
        %mul3A_311 = arith.muli %and3A_236, %mul3A_310 : vector<16xi32>
        %add3A_312 = arith.addi %mul3A_311, %and3A_286 : vector<16xi32>
        %mul3A_313 = arith.constant 64 : i32
        %mul3A_314 = vector.broadcast %mul3A_313 : i32 to vector<16xi32>
        %mul3A_315 = arith.muli %and3A_246, %mul3A_314 : vector<16xi32>
        %add3A_316 = arith.addi %mul3A_315, %and3A_296 : vector<16xi32>
        %gather3A_317 = tpu.vector_load_idx %arg9[%add3A_300] : memref<4096xi32, #tpu.memory_space<vmem>>[vector<16xi32>], vector<16xi32>,
        %gather3A_318 = tpu.vector_load_idx %arg9[%add3A_304] : memref<4096xi32, #tpu.memory_space<vmem>>[vector<16xi32>], vector<16xi32>,
        %gather3A_319 = tpu.vector_load_idx %arg9[%add3A_308] : memref<4096xi32, #tpu.memory_space<vmem>>[vector<16xi32>], vector<16xi32>,
        %gather3A_320 = tpu.vector_load_idx %arg9[%add3A_312] : memref<4096xi32, #tpu.memory_space<vmem>>[vector<16xi32>], vector<16xi32>,
        %gather3A_321 = tpu.vector_load_idx %arg9[%add3A_316] : memref<4096xi32, #tpu.memory_space<vmem>>[vector<16xi32>], vector<16xi32>,
        %and3A_322 = vector.broadcast %scan3A_18 : i32 to vector<16xi32>
        %and3A_323 = arith.andi %gather3A_317, %and3A_322 : vector<16xi32>
        %bitcast3A = vector.bitcast %and3A_323 : vector<16xi32> to vector<16xf32>
        %shift_left3A_324 = arith.constant 16 : i32
        %shift_left3A_325 = vector.broadcast %shift_left3A_324 : i32 to vector<16xi32>
        %shift_left3A_326 = arith.shli %gather3A_317, %shift_left3A_325 : vector<16xi32>
        %bitcast3A_327 = vector.bitcast %shift_left3A_326 : vector<16xi32> to vector<16xf32>
        %mul3A_328 = arith.mulf %bitcast3A, %get3A_144 : vector<16xf32>
        %add3A_329 = arith.addf %mul3A_328, %bitcast3A_327 : vector<16xf32>
        %add3A_330 = arith.constant 0 : i32
        %add3A_331 = arith.addi %mul3A_101, %add3A_330 : i32
        %swap3A = arith.index_cast %add3A_331 : i32 to index
        %swap3A_332 = tpu.vector_load %arg17[%swap3A] {strides = array<i32>} : memref<10000xf32, #tpu.memory_space<vmem>>, vector<16xf32>,
        tpu.vector_store %arg17[%swap3A], %add3A_329 {strides = array<i32>} : memref<10000xf32, #tpu.memory_space<vmem>>, vector<16xf32>,
        %and3A_333 = vector.broadcast %scan3A_18 : i32 to vector<16xi32>
        %and3A_334 = arith.andi %gather3A_318, %and3A_333 : vector<16xi32>
        %bitcast3A_335 = vector.bitcast %and3A_334 : vector<16xi32> to vector<16xf32>
        %shift_left3A_336 = arith.constant 16 : i32
        %shift_left3A_337 = vector.broadcast %shift_left3A_336 : i32 to vector<16xi32>
        %shift_left3A_338 = arith.shli %gather3A_318, %shift_left3A_337 : vector<16xi32>
        %bitcast3A_339 = vector.bitcast %shift_left3A_338 : vector<16xi32> to vector<16xf32>
        %mul3A_340 = arith.mulf %bitcast3A_335, %get3A_148 : vector<16xf32>
        %add3A_341 = arith.addf %mul3A_340, %bitcast3A_339 : vector<16xf32>
        %add3A_342 = arith.constant 16 : i32
        %add3A_343 = arith.addi %mul3A_101, %add3A_342 : i32
        %swap3A_344 = arith.index_cast %add3A_343 : i32 to index
        %swap3A_345 = tpu.vector_load %arg17[%swap3A_344] {strides = array<i32>} : memref<10000xf32, #tpu.memory_space<vmem>>, vector<16xf32>,
        tpu.vector_store %arg17[%swap3A_344], %add3A_341 {strides = array<i32>} : memref<10000xf32, #tpu.memory_space<vmem>>, vector<16xf32>,
        %and3A_346 = vector.broadcast %scan3A_18 : i32 to vector<16xi32>
        %and3A_347 = arith.andi %gather3A_319, %and3A_346 : vector<16xi32>
        %bitcast3A_348 = vector.bitcast %and3A_347 : vector<16xi32> to vector<16xf32>
        %shift_left3A_349 = arith.constant 16 : i32
        %shift_left3A_350 = vector.broadcast %shift_left3A_349 : i32 to vector<16xi32>
        %shift_left3A_351 = arith.shli %gather3A_319, %shift_left3A_350 : vector<16xi32>
        %bitcast3A_352 = vector.bitcast %shift_left3A_351 : vector<16xi32> to vector<16xf32>
        %mul3A_353 = arith.mulf %bitcast3A_348, %get3A_152 : vector<16xf32>
        %add3A_354 = arith.addf %mul3A_353, %bitcast3A_352 : vector<16xf32>
        %add3A_355 = arith.constant 32 : i32
        %add3A_356 = arith.addi %mul3A_101, %add3A_355 : i32
        %swap3A_357 = arith.index_cast %add3A_356 : i32 to index
        %swap3A_358 = tpu.vector_load %arg17[%swap3A_357] {strides = array<i32>} : memref<10000xf32, #tpu.memory_space<vmem>>, vector<16xf32>,
        tpu.vector_store %arg17[%swap3A_357], %add3A_354 {strides = array<i32>} : memref<10000xf32, #tpu.memory_space<vmem>>, vector<16xf32>,
        %and3A_359 = vector.broadcast %scan3A_18 : i32 to vector<16xi32>
        %and3A_360 = arith.andi %gather3A_320, %and3A_359 : vector<16xi32>
        %bitcast3A_361 = vector.bitcast %and3A_360 : vector<16xi32> to vector<16xf32>
        %shift_left3A_362 = arith.constant 16 : i32
        %shift_left3A_363 = vector.broadcast %shift_left3A_362 : i32 to vector<16xi32>
        %shift_left3A_364 = arith.shli %gather3A_320, %shift_left3A_363 : vector<16xi32>
        %bitcast3A_365 = vector.bitcast %shift_left3A_364 : vector<16xi32> to vector<16xf32>
        %mul3A_366 = arith.mulf %bitcast3A_361, %get3A_156 : vector<16xf32>
        %add3A_367 = arith.addf %mul3A_366, %bitcast3A_365 : vector<16xf32>
        %add3A_368 = arith.constant 48 : i32
        %add3A_369 = arith.addi %mul3A_101, %add3A_368 : i32
        %swap3A_370 = arith.index_cast %add3A_369 : i32 to index
        %swap3A_371 = tpu.vector_load %arg17[%swap3A_370] {strides = array<i32>} : memref<10000xf32, #tpu.memory_space<vmem>>, vector<16xf32>,
        tpu.vector_store %arg17[%swap3A_370], %add3A_367 {strides = array<i32>} : memref<10000xf32, #tpu.memory_space<vmem>>, vector<16xf32>,
        %and3A_372 = vector.broadcast %scan3A_18 : i32 to vector<16xi32>
        %and3A_373 = arith.andi %gather3A_321, %and3A_372 : vector<16xi32>
        %bitcast3A_374 = vector.bitcast %and3A_373 : vector<16xi32> to vector<16xf32>
        %shift_left3A_375 = arith.constant 16 : i32
        %shift_left3A_376 = vector.broadcast %shift_left3A_375 : i32 to vector<16xi32>
        %shift_left3A_377 = arith.shli %gather3A_321, %shift_left3A_376 : vector<16xi32>
        %bitcast3A_378 = vector.bitcast %shift_left3A_377 : vector<16xi32> to vector<16xf32>
        %mul3A_379 = arith.mulf %bitcast3A_374, %get3A_160 : vector<16xf32>
        %add3A_380 = arith.addf %mul3A_379, %bitcast3A_378 : vector<16xf32>
        %add3A_381 = arith.constant 64 : i32
        %add3A_382 = arith.addi %mul3A_101, %add3A_381 : i32
        %swap3A_383 = arith.index_cast %add3A_382 : i32 to index
        %swap3A_384 = tpu.vector_load %arg17[%swap3A_383] {strides = array<i32>} : memref<10000xf32, #tpu.memory_space<vmem>>, vector<16xf32>,
        tpu.vector_store %arg17[%swap3A_383], %add3A_380 {strides = array<i32>} : memref<10000xf32, #tpu.memory_space<vmem>>, vector<16xf32>,
      }
      %scan3A_86 = arith.constant 125 : i32
      %mul3A_87 = arith.constant 10000 : i32
      %mul3A_88 = arith.muli %add3A_75, %mul3A_87 : i32
      %add3A_89 = arith.addi %mul3A_2, %mul3A_88 : i32
      %dma_start3A_90 = tpu.memref_slice %arg7[%add3A_89] : memref<6400000xf32, #tpu.memory_space<hbm>> -> memref<10000xf32, #tpu.memory_space<hbm>>
      %dma_start3A_91 = tpu.memref_slice %arg7[%add3A_89] : memref<6400000xf32, #tpu.memory_space<hbm>> -> memref<10000xf32, #tpu.memory_space<hbm>>
      tpu.enqueue_dma source(%arg17 : memref<10000xf32, #tpu.memory_space<vmem>>) target(%dma_start3A_91 : memref<10000xf32, #tpu.memory_space<hbm>>) target_semaphore(%arg21 : memref<!tpu.dma_semaphore, #tpu.memory_space<semaphore_mem>>)
      %add3A_92 = arith.constant 3 : i32
      %add3A_93 = arith.addi %mul3A_29, %add3A_92 : i32
      %lt3A_94 = arith.constant 20 : i32
      %lt3A_95 = arith.cmpi slt, %add3A_93, %lt3A_94 : i32
      %convert_element_type3A_96 = arith.extui %lt3A_95 : i1 to i32
      %cond3A_97 = arith.constant 0 : i32
      %cond3A_98 = arith.cmpi ne, %convert_element_type3A_96, %cond3A_97 : i32
      scf.if %cond3A_98 {
        %add3A_99 = arith.constant 3 : i32
        %add3A_100 = arith.addi %mul3A_29, %add3A_99 : i32
        %mul3A_101 = arith.constant 10000 : i32
        %mul3A_102 = arith.muli %add3A_100, %mul3A_101 : i32
        %add3A_103 = arith.addi %mul3A_2, %mul3A_102 : i32
        %dma_start3A_104 = tpu.memref_slice %arg2[%add3A_103] : memref<6400000xi32, #tpu.memory_space<hbm>> -> memref<10000xi32, #tpu.memory_space<hbm>>
        %dma_start3A_105 = tpu.memref_slice %arg2[%add3A_103] : memref<6400000xi32, #tpu.memory_space<hbm>> -> memref<10000xi32, #tpu.memory_space<hbm>>
        tpu.enqueue_dma source(%dma_start3A_105 : memref<10000xi32, #tpu.memory_space<hbm>>) target(%arg14 : memref<10000xi32, #tpu.memory_space<vmem>>) target_semaphore(%arg19 : memref<!tpu.dma_semaphore, #tpu.memory_space<semaphore_mem>>)
        %dma_start3A_106 = tpu.memref_slice %arg3[%add3A_103] : memref<6400000xi32, #tpu.memory_space<hbm>> -> memref<10000xi32, #tpu.memory_space<hbm>>
        %dma_start3A_107 = tpu.memref_slice %arg3[%add3A_103] : memref<6400000xi32, #tpu.memory_space<hbm>> -> memref<10000xi32, #tpu.memory_space<hbm>>
        tpu.enqueue_dma source(%dma_start3A_107 : memref<10000xi32, #tpu.memory_space<hbm>>) target(%arg15 : memref<10000xi32, #tpu.memory_space<vmem>>) target_semaphore(%arg19 : memref<!tpu.dma_semaphore, #tpu.memory_space<semaphore_mem>>)
        %dma_start3A_108 = tpu.memref_slice %arg4[%add3A_103] : memref<6400000xf32, #tpu.memory_space<hbm>> -> memref<10000xf32, #tpu.memory_space<hbm>>
        %dma_start3A_109 = tpu.memref_slice %arg4[%add3A_103] : memref<6400000xf32, #tpu.memory_space<hbm>> -> memref<10000xf32, #tpu.memory_space<hbm>>
        tpu.enqueue_dma source(%dma_start3A_109 : memref<10000xf32, #tpu.memory_space<hbm>>) target(%arg16 : memref<10000xf32, #tpu.memory_space<vmem>>) target_semaphore(%arg19 : memref<!tpu.dma_semaphore, #tpu.memory_space<semaphore_mem>>)
      } else {
      }
    }
    %scan3A_23 = arith.constant 10 : i32
    %dma_wait3A = tpu.memref_slice %arg7[%mul3A_2] : memref<6400000xf32, #tpu.memory_space<hbm>> -> memref<10000xf32, #tpu.memory_space<hbm>>
    %dma_wait3A_24 = tpu.memref_slice %arg7[%mul3A_2] : memref<6400000xf32, #tpu.memory_space<hbm>> -> memref<10000xf32, #tpu.memory_space<hbm>>
    tpu.wait_dma2 semaphore(%arg20 : memref<!tpu.dma_semaphore, #tpu.memory_space<semaphore_mem>>) src(%arg13 : memref<10000xf32, #tpu.memory_space<vmem>>) dst(%dma_wait3A_24 : memref<10000xf32, #tpu.memory_space<hbm>>)
    %dma_wait3A_25 = tpu.memref_slice %arg7[%mul3A_2] : memref<6400000xf32, #tpu.memory_space<hbm>> -> memref<10000xf32, #tpu.memory_space<hbm>>
    %dma_wait3A_26 = tpu.memref_slice %arg7[%mul3A_2] : memref<6400000xf32, #tpu.memory_space<hbm>> -> memref<10000xf32, #tpu.memory_space<hbm>>
    tpu.wait_dma2 semaphore(%arg21 : memref<!tpu.dma_semaphore, #tpu.memory_space<semaphore_mem>>) src(%arg17 : memref<10000xf32, #tpu.memory_space<vmem>>) dst(%dma_wait3A_26 : memref<10000xf32, #tpu.memory_space<hbm>>)
    return
  }
}

</mosaic_0001>

<sc_bundles>
// kernel: kernel.3.cloned.1.call-start
scs
__scs_entry_jumppad:
0x0: {  	(pc) =	sbr.rel $0x88, $3  }
0x1: {  	(tag) =	ssettag $0x0;
	lr =	simm.s32 $0x1  }
0x2: {  	[smem:$0x3F9C] =	sst lr;
	_ =	strace $0xD0000000  }
0x3: {  	_ = 	snop  }
0x4: {  	_ = 	snop  }
0x5: {  	_ = 	snop  }
0x6: {  	_ = 	snop  }
0x7: {  	_ = 	snop  }
__scs_overlays_trampoline_lowered:
0x8: {  	[smem:$0x3FAB] =	sst s0  }
0x9: {  	[smem:$0x3FAC] =	sst s1  }
0xa: {  	[smem:$0x3FAD] =	sst s2  }
0xb: {  	[smem:$0x3FAE] =	sst s3  }
0xc: {  	[smem:$0x3FAF] =	sst s4  }
0xd: {  	[smem:$0x3FB0] =	sst s5  }
0xe: {  	[smem:$0x3FB1] =	sst s6  }
0xf: {  	[smem:$0x3FB2] =	sst s7  }
0x10: {  	[smem:$0x3FB3] =	sst s8  }
0x11: {  	[smem:$0x3FB4] =	sst s9;
	s0 =	simm.s32 @!p0 $0x0  }
0x12: {  	s1 =	sld [smem:$0x3F9A];
	s0 =	simm.s32 @p0 $0x1  }
0x13: {  	[smem:$0x3FB5] =	sst s0;
	s0 =	simm.s32 @!p1 $0x0  }
0x14: {  	s2 =	sld [smem:$0x3F99];
	s0 =	simm.s32 @p1 $0x1  }
0x15: {  	[smem:$0x3FB6] =	sst s0;
	s0 =	simm.s32 @!p2 $0x0  }
0x16: {  	s3 =	sld [smem:$0x3FDB];
	s0 =	simm.s32 @p2 $0x1  }
0x17: {  	s4 =	simm.s32 $0x1BF5;
	[smem:$0x3FB8] =	sst s0  }
0x18: {  	s0 =	sld [smem:$0x3F9B];
	_ =	swait.ge [sflag:s4], $0x0  }
0x19: {  	s7 =	sld [smem:$0x3F9C]  }
0x1a: {  	s8 =	sadd.s32 $0xFFFFE003, lr  }
0x1b: {  	s9 =	sadd.s32 $0xFFFFFEF7, lr;
	s5 =	simm.s32 $0xFFFFFFFF;
	p2 =	slt.u32 s8, $0xFFFFF086  }
0x1c: {  	p1 =	slt.u32 s9, $0xF7A;
	s5 =	simm.s32 @!p2 $0x0  }
0x1d: {  	s5 =	simm.s32 @p1 $0x1;
	p0 =	seq.s32 s7, s2  }
0x1e: {  	s7 =	smul.u32 @!p0 $0xF7A, s2;
	p2 =	seq.s32 @!p0 s5, $0x0  }
0x1f: {  	s9 =	smul.u32 $0xF7A, s1;
	s8 =	simm.s32 @!p0 $0x1BF5;
	p2 =	por !p2, p0  }
0x20: {  	[sflag:s8] =	ssyncset.s32 @!p0 $0xFFFFF086;
	s6 =	sadd.s32 @!p0 s3, s7;
	s7 =	simm.s32 @!p0 $0x108  }
0x21: {  	s3 =	sadd.s32 s3, s9;
	s6 =	sadd.s32 @!p0 $0x88, s6;
	s7 =	simm.s32 @p2 $0x1082  }
0x22: {  	[simem:s7], [sflag:s8] =	dma.local @!p0 [hbm:s6], $0xF7A  }
0x23: {  	s9 =	sor.u32 $0xD0000000, s2;
	s6 =	simm.s32 $0x108;
	_ =	swait.ge @!p0 [sflag:s8], $0x0  }
0x24: {  	s3 =	sadd.s32 $0x88, s3;
	s6 =	simm.s32 @!p1 $0x1082;
	[sflag:s4] =	ssyncset.s32 $0xFFFFF086  }
0x25: {  	[simem:s6], [sflag:s4] =	dma.local [hbm:s3], $0xF7A  }
0x26: {  	[smem:$0x3F9C] =	sst s1;
	(tag) =	ssettag s2;
	_ =	strace s9  }
0x27: {  	s1 =	sld [smem:$0x3FAC]  }
0x28: {  	s2 =	sld [smem:$0x3FAD]  }
0x29: {  	s4 =	sld [smem:$0x3FAF]  }
0x2a: {  	p0 =	seq.s32 s5, $0x0;
	s5 =	sld [smem:$0x3FB0]  }
0x2b: {  	s6 =	sld [smem:$0x3FB1]  }
0x2c: {  	s7 =	sld [smem:$0x3FB2]  }
0x2d: {  	s3 =	simm.s32 $0x108;
	s8 =	sld [smem:$0x3FB3]  }
0x2e: {  	s3 =	simm.s32 @!p0 $0x1082;
	s9 =	sld [smem:$0x3FB4]  }
0x2f: {  	lr =	sadd.s32 s0, s3;
	s0 =	sld [smem:$0x3FAB]  }
0x30: {  	s3 =	sld [smem:$0x3FAE]  }
0x31: {  	[smem:$0x3FB7] =	sst s10  }
0x32: {  	s10 =	sld [smem:$0x3FB5];
	_ =	sdelay $0x3  }
0x33: {  	p0 =	seq.s32 s10, $0x1;
	s10 =	sld [smem:$0x3FB7];
	_ =	sdelay $0x3  }
0x34: {  	[smem:$0x3FB7] =	sst s10  }
0x35: {  	s10 =	sld [smem:$0x3FB6];
	_ =	sdelay $0x3  }
0x36: {  	p1 =	seq.s32 s10, $0x1;
	s10 =	sld [smem:$0x3FB7];
	_ =	sdelay $0x3  }
0x37: {  	[smem:$0x3FB7] =	sst s10  }
0x38: {  	s10 =	sld [smem:$0x3FB8]  }
0x39: {  	_ = 	snop;
	(pc) =	sbr.ind lr, $3  }
0x3a: {  	_ = 	snop  }
0x3b: {  	_ = 	snop  }
0x3c: {  	p2 =	seq.s32 s10, $0x1;
	s10 =	sld [smem:$0x3FB7]  }
0x3d: {  	_ =	shalt  }
0x3e: {  	_ =	shalt  }
0x3f: {  	_ =	shalt  }
0x40: {  	_ =	shalt  }
0x41: {  	_ =	shalt  }
0x42: {  	_ =	shalt  }
0x43: {  	_ =	shalt  }
0x44: {  	_ =	shalt  }
0x45: {  	_ =	shalt  }
0x46: {  	_ =	shalt  }
0x47: {  	_ =	shalt  }
0x48: {  	_ =	shalt  }
0x49: {  	_ =	shalt  }
0x4a: {  	_ =	shalt  }
0x4b: {  	_ =	shalt  }
0x4c: {  	_ =	shalt  }
0x4d: {  	_ =	shalt  }
0x4e: {  	_ =	shalt  }
0x4f: {  	_ =	shalt  }
0x50: {  	_ =	shalt  }
0x51: {  	_ =	shalt  }
0x52: {  	_ =	shalt  }
0x53: {  	_ =	shalt  }
0x54: {  	_ =	shalt  }
0x55: {  	_ =	shalt  }
0x56: {  	_ =	shalt  }
0x57: {  	_ =	shalt  }
0x58: {  	_ =	shalt  }
0x59: {  	_ =	shalt  }
0x5a: {  	_ =	shalt  }
0x5b: {  	_ =	shalt  }
0x5c: {  	_ =	shalt  }
0x5d: {  	_ =	shalt  }
0x5e: {  	_ =	shalt  }
0x5f: {  	_ =	shalt  }
0x60: {  	_ =	shalt  }
0x61: {  	_ =	shalt  }
0x62: {  	_ =	shalt  }
0x63: {  	_ =	shalt  }
0x64: {  	_ =	shalt  }
0x65: {  	_ =	shalt  }
0x66: {  	_ =	shalt  }
0x67: {  	_ =	shalt  }
0x68: {  	_ =	shalt  }
0x69: {  	_ =	shalt  }
0x6a: {  	_ =	shalt  }
0x6b: {  	_ =	shalt  }
0x6c: {  	_ =	shalt  }
0x6d: {  	_ =	shalt  }
0x6e: {  	_ =	shalt  }
0x6f: {  	_ =	shalt  }
0x70: {  	_ =	shalt  }
0x71: {  	_ =	shalt  }
0x72: {  	_ =	shalt  }
0x73: {  	_ =	shalt  }
0x74: {  	_ =	shalt  }
0x75: {  	_ =	shalt  }
0x76: {  	_ =	shalt  }
0x77: {  	_ =	shalt  }
0x78: {  	_ =	shalt  }
0x79: {  	_ =	shalt  }
0x7a: {  	_ =	shalt  }
0x7b: {  	_ =	shalt  }
0x7c: {  	_ =	shalt  }
0x7d: {  	_ =	shalt  }
0x7e: {  	_ =	shalt  }
0x7f: {  	_ =	shalt  }
0x80: {  	_ =	shalt  }
0x81: {  	_ =	shalt  }
0x82: {  	_ =	shalt  }
0x83: {  	_ =	shalt  }
0x84: {  	_ =	shalt  }
0x85: {  	_ =	shalt  }
0x86: {  	_ =	shalt  }
0x87: {  	_ =	shalt  }
.Lfunc_end0:
.L_simem_size_0:
called_computation_lowered:
.L_overlay_start_0:
0x88: {  	s2 =	sld [smem:$0x3FD9]  }
0x89: {  	s3 =	sld [smem:$0x3FFE];
	_ =	sdelay $0x1  }
0x8a: {  	s1 =	srdreg.scid  }
0x8b: {  	s0 =	sand.u32 $0x1, s1  }
0x8c: {  	s17 =	sshll.u32 s0, $0xA;
	s2 =	sadd.s32 s3, s2  }
0x8d: {  	s2 =	sadd.s32 s2, s17  }
0x8e: {  	[smem:$0x3FC3] =	sst s2  }
0x8f: {  	_ = 	snop  }
0x90: {  	s2 =	sld [smem:$0x3FC7]  }
0x91: {  	s18 =	sld [smem:$0x3FD0];
	(tm) =	ssettm $0x1  }
0x92: {  	s4 =	sld [smem:$0x3FFB];
	_ =	sdelay $0x3  }
0x93: {  	_ =	strace s4  }
0x94: {  	s4 =	sld [smem:$0x3FFC];
	_ =	sdelay $0x3  }
0x95: {  	_ =	strace s4  }
0x96: {  	s4 =	sld [smem:$0x3FFD];
	_ =	sdelay $0x3  }
0x97: {  	_ =	strace s4  }
0x98: {  	_ =	strace $0x8FFFFFFF  }
0x99: {  	s19 =	sld [smem:$0x3FDB];
	_ =	sdelay $0x1  }
0x9a: {  	s5 =	simm.s32 $_scs_section_size  }
0x9b: {  	s6 =	simm.s32 $_size__tile_overlayer_lowered;
	s7 =	simm.s32 $_tile_overlayer_lowered  }
0x9c: {  	s22 =	simm.s32 $0x1BFF;
	s21 =	sshll.u32 s7, $0x1;
	s4 =	sadd.s32 s5, s19  }
0x9d: {  	s8 =	simm.s32 $0x0;
	s20 =	sshll.u32 s6, $0x1;
	s6 =	sadd.s32 s21, s4  }
0x9e: {  	[timem:s8], [sflag:s22] =	dma.local [hbm:s6], s20  }
0x9f: {  	_ =	swait.ge [sflag:s22], s20  }
0xa0: {  	s5 =	ssub.s32 $0x0, s20;
	[sflag:s22] =	ssyncset.done $0x0  }
0xa1: {  	[sflag:s22] =	ssyncadd.s32 s5;
	_ =	sdelay $0x1  }
0xa2: {  	s23 =	simm.s32 $0x1B8B  }
0xa3: {  	_ =	swait.ge [sflag:s23], $0x1  }
0xa4: {  	[sflag:s23] =	ssyncset.done $0x0  }
0xa5: {  	s25 =	simm.s32 $0x1B8E;
	s24 =	sld [smem:$0x3FFE];
	[sflag:s23] =	ssyncadd.s32 $0xFFFFFFFF  }
0xa6: {  	s26 =	simm.s32 $execute0_lowered;
	[smem:$0x3FD2] =	sst s25  }
0xa7: {  	s6 =	sshll.u32 s26, $0x1;
	_ =	strace $0x80000046;
	[dreg:$0x1] =	wrdreg $0xFFFFFFFF  }
0xa8: {  	s28 =	simm.s32 $_size_execute0_lowered;
	s4 =	sadd.s32 s4, s6;
	[dreg:$0x0] =	wrdreg $0x0  }
0xa9: {  	s6 =	sshll.u32 s28, $0x1;
	[dreg:$0x2] =	wrdreg s4  }
0xaa: {  	[dreg:$0x3] =	wrdreg s6  }
0xab: {  	[dreg:$0x4] =	wrdreg $0xC0  }
0xac: {  	_ =	task [dreg:s8], $0x5FFFF  }
0xad: {  	[dreg:$0x1] =	wrdreg $0xFFFFFFFF  }
0xae: {  	[dreg:$0x0] =	wrdreg $0x60  }
0xaf: {  	[dreg:$0x2] =	wrdreg s24  }
0xb0: {  	[dreg:$0x3] =	wrdreg s2  }
0xb1: {  	[dreg:$0x4] =	wrdreg s18  }
0xb2: {  	[dreg:$0x5] =	wrdreg $0x9  }
0xb3: {  	_ =	task.clear_ibuf [dreg:s8], $0x6FFFF;
	_ =	strace $0x90000046  }
0xb4: {  	s29 =	simm.s32 $0x9;
	_ =	strace $0x80000048  }
0xb5: {  	_ =	swait.ge [sflag:s29], $0x1  }
0xb6: {  	[sflag:s29] =	ssyncadd.s32 $0xFFFFFFFF  }
0xb7: {  	_ =	strace $0x90000048  }
0xb8: {  	_ =	sfence  }
0xb9: {  	s30 =	sld [smem:$0x0];
	_ =	sdelay $0x2  }
0xba: {  	s31 =	sshll.u32 s1, $0xD;
	s1 =	sshrl.u32 s1, $0x2  }
0xbb: {  	s3 =	sand.u32 $0x4000, s31;
	s1 =	sadd.s32 s1, s30  }
0xbc: {  	s0 =	sor.u32 s3, s0;
	s1 =	sshll.u32 s1, $0x11  }
0xbd: {  	s0 =	sor.u32 s1, s0  }
0xbe: {  	s0 =	sadd.s32 $0x8F2B, s0  }
0xbf: {  	[sflag:s0] =	ssyncadd.remote.s32 $0x1  }
0xc0: {  	_ =	sfence.sel $0xFFFF  }
0xc1: {  	[dreg:$0x0] =	wrdreg $0xFFFFFFFF;
	(pc) =	sbr.abs _section_cstart, $3  }
0xc2: {  	[dreg:$0x1] =	wrdreg $0xFFFFFFFF  }
0xc3: {  	_ =	task.clear_ibuf [dreg:s8], $0x2FFFF;
	_ =	strace $0x9FFFFFFF  }
0xc4: {  	(tm) =	ssettm $0x7FFFFFFF  }
0xc5: {  	_ =	shalt  }
tec
execute0_lowered:
.L_overlay_start_1:
0x0: {  	(tag) =	ssettag $0x1  }
0x1: {  	s0 =	rddreg [dreg:$0x0]  }
0x2: {  	s2 =	rddreg [dreg:$0x1]  }
0x3: {  	s3 =	rddreg [dreg:$0x2];
	s1 =	srdreg.scid  }
0x4: {  	s5 =	stileid.u32;
	s4 =	simm.s32 $0x0;
	s20 =	simm.s32 $0x5  }
0x5: {  	s28 =	simm.s32 $0x15F00;
	s29 =	simm.s32 $0x1;
	s30 =	simm.s32 $0xE880  }
0x6: {  	s31 =	simm.s32 $0x2;
	s1 =	sand.u32 $0x1, s1;
	s5 =	sshll.u32 s5, $0x1  }
0x7: {  	[smem:$0x7FF] =	sst s4;
	s7 =	sadd.s32 $0x800, s0;
	s8 =	sadd.s32 $0x187400, s0  }
0x8: {  	s6 =	sor.u32 s1, s5;
	_ =	strace $0x80000047;
	s5 =	sadd.s32 $0xC3E00, s0  }
0x9: {  	[dreg:$0x4] =	wrdreg s8;
	s1 =	ssub.s32 $0x2, s1;
	s0 =	sadd.s32 $0x600, s0  }
0xa: {  	s6 =	smul.u32 $0x30D40, s6;
	[dreg:$0x5] =	wrdreg s0;
	s21 =	sshrl.u32 s1, $0x1  }
0xb: {  	s0 =	ssub.s32 s1, s21;
	s21 =	simm.s32 $0x6200;
	s1 =	simm.s32 $0x3  }
0xc: {  	s22 =	sshrl.u32 s6, $0x3;
	s11 =	sadd.s32 $0x2710, s6;
	s17 =	sadd.s32 $0x4E20, s6  }
0xd: {  	s18 =	sadd.s32 $0x7530, s6;
	s19 =	smax.u32 s0, $0x1;
	s23 =	sadd.s32 s5, s22  }
.Ltmp0:
0xe: {  	s24 =	sadd.s32 s7, s22;
	[dreg:$0x6] =	wrdreg s23;
	(pc) =	sbr.rel .LBB2_1-.Ltmp0, $4  }
0xf: {  	s0 =	simm.s32 $0x18680;
	s25 =	sadd.s32 s2, s22;
	[dreg:$0x7] =	wrdreg s24  }
0x10: {  	s26 =	sshrl.u32 s11, $0x3;
	s22 =	simm.s32 $0x4;
	[dreg:$0x8] =	wrdreg s25  }
0x11: {  	s14 =	sadd.s32 s5, s26;
	s15 =	sadd.s32 s7, s26;
	s16 =	sadd.s32 s2, s26  }
0x12: {  	s25 =	simm.s32 $0x11000;
	s26 =	simm.s32 $0x13780;
	s23 =	simm.s32 $0x0  }
.LBB2_8:
0x13: {  	s23 =	sadd.s32 $0x1, s23  }
0x14: {  	_ =	swait.ge [sflag:s1], $0x2710;
	p0 =	sne.s32 s23, s19  }
.Ltmp1:
0x15: {  	[sflag:s1] =	ssyncset.done $0x0;
	(pc) =	sbr.rel @!p0 .LBB2_9-.Ltmp1, $4  }
0x16: {  	[sflag:s1] =	ssyncadd.s32 $0xFFFFD8F0  }
0x17: {  	_ =	swait.ge [sflag:s22], $0x2710  }
0x18: {  	[sflag:s22] =	ssyncset.done $0x0  }
0x19: {  	[sflag:s22] =	ssyncadd.s32 $0xFFFFD8F0  }
.LBB2_1:
0x1a: {  	s8 =	rddreg [dreg:$0x4]  }
0x1b: {  	[tilespmem:s4], [sflag:$0x5] =	stream.linear.gather [hbm4b:s8+s4], $0x6200, $0x38;
	[tilespmem:$0x1AE00] =	vst v63  }
0x1c: {  	_ =	swait.ge [sflag:s20], $0x6200  }
0x1d: {  	[sflag:s20] =	ssyncset.done $0x0  }
0x1e: {  	s13 =	rddreg [dreg:$0x5];
	[sflag:s20] =	ssyncadd.s32 $0xFFFF9E00  }
0x1f: {  	[tilespmem:s21], [sflag:$0x5] =	stream.linear.gather [hbm4b:s13+s4], $0x1000, $0x38;
	[tilespmem:$0x1AE00] =	vst v63  }
0x20: {  	_ =	swait.ge [sflag:s20], $0x1000  }
0x21: {  	[sflag:s20] =	ssyncset.done $0x0  }
0x22: {  	s9 =	simm.s32 $0x7200;
	s24 =	rddreg [dreg:$0x6];
	[sflag:s20] =	ssyncadd.s32 $0xFFFFF000  }
0x23: {  	[tilespmem:s9], [sflag:$0x1] =	stream.linear.gather [hbm4b:s24+s4], $0x2710, $0x38;
	[tilespmem:$0x1AE00] =	vst v63  }
0x24: {  	s12 =	simm.s32 $0x9980;
	s10 =	rddreg [dreg:$0x7]  }
0x25: {  	[tilespmem:s12], [sflag:$0x1] =	stream.linear.gather [hbm4b:s10+s4], $0x2710, $0x38;
	[tilespmem:$0x1AE00] =	vst v63  }
0x26: {  	s13 =	rddreg [dreg:$0x8];
	s24 =	simm.s32 $0xC100  }
0x27: {  	[tilespmem:s24], [sflag:$0x1] =	stream.linear.gather [hbm4b:s13+s4], $0x2710, $0x38;
	[tilespmem:$0x1AE00] =	vst v63  }
0x28: {  	_ = 	snop  }
0x29: {  	[tilespmem:s25], [sflag:$0x2] =	stream.linear.gather [hbm4b:s14+s4], $0x2710, $0x38;
	[tilespmem:$0x1AE00] =	vst v63  }
0x2a: {  	_ = 	snop  }
0x2b: {  	[tilespmem:s26], [sflag:$0x2] =	stream.linear.gather [hbm4b:s15+s4], $0x2710, $0x38;
	[tilespmem:$0x1AE00] =	vst v63  }
0x2c: {  	s24 =	simm.s32 $0x0  }
0x2d: {  	[tilespmem:s28], [sflag:$0x2] =	stream.linear.gather [hbm4b:s16+s4], $0x2710, $0x38;
	[tilespmem:$0x1AE00] =	vst v63  }
.LBB2_2:
0x2e: {  	_ =	swait.ge [sflag:s29], $0x2710  }
0x2f: {  	[sflag:s29] =	ssyncset.done $0x0  }
0x30: {  	[sflag:s29] =	ssyncadd.s32 $0xFFFFD8F0  }
0x31: {  	_ =	swait.ge [sflag:s29], $0x2710  }
0x32: {  	[sflag:s29] =	ssyncset.done $0x0  }
0x33: {  	[sflag:s29] =	ssyncadd.s32 $0xFFFFD8F0  }
0x34: {  	_ =	swait.ge [sflag:s29], $0x2710  }
0x35: {  	p0 =	seq.s32 s24, $0x0;
	[sflag:s29] =	ssyncset.done $0x0  }
0x36: {  	s8 =	simm.s32 @!p0 $0x3;
	[sflag:s29] =	ssyncadd.s32 $0xFFFFD8F0  }
0x37: {  	_ =	swait.ge @!p0 [sflag:s8], $0x2710  }
0x38: {  	[sflag:s8] =	ssyncset.done @!p0 $0x0  }
0x39: {  	[sflag:s8] =	ssyncadd.s32 @!p0 $0xFFFFD8F0;
	s8 =	simm.s32 $0x0  }
0x3a: {  	v1 =	vld [tilespmem:s8+$0x99C0]  }
0x3b: {  	v2 =	vld [tilespmem:s8+$0x7240]  }
0x3c: {  	v3 =	vld [tilespmem:s8+$0x7230]  }
0x3d: {  	v0 =	vld [tilespmem:s8+$0x99B0]  }
0x3e: {  	v4 =	vld [tilespmem:s8+$0x7210]  }
0x3f: {  	v5 =	vld [tilespmem:s8+$0x7220];
	v7 =	vshra.s32 v1, $0x2  }
0x40: {  	v6 =	vld [tilespmem:s8+$0x7200];
	v9 =	vshra.s32 v2, $0x2  }
0x41: {  	v8 =	vld [tilespmem:s8+$0x9980];
	v11 =	vshra.s32 v3, $0x2  }
0x42: {  	v10 =	vld [tilespmem:s8+$0x9990];
	v12 =	vshra.s32 v0, $0x2  }
0x43: {  	v13 =	vld [tilespmem:s8+$0x99A0];
	v1 =	vshll.u32 v1, $0x3  }
0x44: {  	v2 =	vshll.u32 v2, $0x3;
	v3 =	vshll.u32 v3, $0x3;
	v0 =	vshll.u32 v0, $0x3;
	v7 =	vld.idx.msk [tilespmem:v7+s4+$0x0], $0xffff  }
0x45: {  	v14 =	vshra.s32 v4, $0x2;
	v4 =	vshll.u32 v4, $0x3;
	v15 =	vshra.s32 v6, $0x2;
	v9 =	vld.idx.msk [tilespmem:v9+s4+$0x0], $0xffff  }
0x46: {  	v16 =	vshra.s32 v5, $0x2;
	v5 =	vshll.u32 v5, $0x3;
	v17 =	vshra.s32 v8, $0x2;
	v11 =	vld.idx.msk [tilespmem:v11+s4+$0x0], $0xffff  }
0x47: {  	v6 =	vshll.u32 v6, $0x3;
	v8 =	vshll.u32 v8, $0x3;
	v18 =	vshra.s32 v10, $0x2;
	v12 =	vld.idx.msk [tilespmem:v12+s4+$0x0], $0xffff  }
0x48: {  	v10 =	vshll.u32 v10, $0x3;
	v19 =	vshra.s32 v13, $0x2;
	v13 =	vshll.u32 v13, $0x3  }
0x49: {  	v5 =	vand.u32 $0x18, v5;
	v4 =	vand.u32 $0x18, v4;
	v0 =	vand.u32 $0x18, v0  }
0x4a: {  	v1 =	vand.u32 $0x18, v1;
	v2 =	vand.u32 $0x18, v2;
	v10 =	vand.u32 $0x18, v10;
	v15 =	vld.idx.msk [tilespmem:v15+s4+$0x0], $0xffff  }
0x4b: {  	v3 =	vand.u32 $0x18, v3;
	v6 =	vand.u32 $0x18, v6;
	v17 =	vld.idx.msk [tilespmem:v17+s4+$0x0], $0xffff;
	v1 =	vshra.s32 v7, v1  }
0x4c: {  	v2 =	vshra.s32 v9, v2;
	v7 =	vld.idx.msk [tilespmem:v14+s4+$0x0], $0xffff;
	v3 =	vshra.s32 v11, v3;
	v0 =	vshra.s32 v12, v0  }
0x4d: {  	v9 =	vld.idx.msk [tilespmem:v16+s4+$0x0], $0xffff;
	v1 =	vand.u32 $0x3F, v1;
	v2 =	vshll.u32 v2, $0x6;
	v3 =	vshll.u32 v3, $0x6  }
0x4e: {  	v11 =	vld.idx.msk [tilespmem:v19+s4+$0x0], $0xffff;
	v0 =	vand.u32 $0x3F, v0;
	v2 =	vand.u32 $0xFC0, v2;
	v3 =	vand.u32 $0xFC0, v3  }
0x4f: {  	v8 =	vand.u32 $0x18, v8;
	v1 =	vor.u32 v2, v1;
	v2 =	vld.idx.msk [tilespmem:v18+s4+$0x0], $0xffff;
	v0 =	vor.u32 v3, v0  }
0x50: {  	v3 =	vshra.s32 v15, v6;
	v6 =	vshra.s32 v17, v8;
	v8 =	vand.u32 $0x18, v13  }
0x51: {  	v3 =	vshll.u32 v3, $0x6;
	v6 =	vand.u32 $0x3F, v6;
	v4 =	vshra.s32 v7, v4  }
0x52: {  	v3 =	vand.u32 $0xFC0, v3;
	v5 =	vshra.s32 v9, v5;
	v4 =	vshll.u32 v4, $0x6  }
0x53: {  	v9 =	vld [tilespmem:s8+$0xC130];
	v3 =	vor.u32 v3, v6;
	v6 =	vshra.s32 v11, v8;
	v5 =	vshll.u32 v5, $0x6  }
0x54: {  	v6 =	vand.u32 $0x3F, v6;
	v5 =	vand.u32 $0xFC0, v5;
	v1 =	vld.idx.msk [tilespmem:v1+s21+$0x0], $0xffff;
	v2 =	vshra.s32 v2, v10  }
0x55: {  	v7 =	vld.idx.msk [tilespmem:v0+s21+$0x0], $0xffff;
	v0 =	vand.u32 $0xFC0, v4;
	v5 =	vor.u32 v5, v6;
	v2 =	vand.u32 $0x3F, v2  }
0x56: {  	v8 =	vld [tilespmem:s8+$0xC140];
	v2 =	vor.u32 v0, v2  }
0x57: {  	v6 =	vld [tilespmem:s8+$0xC100]  }
0x58: {  	v0 =	vld [tilespmem:s8+$0xC120]  }
0x59: {  	v4 =	vld.idx.msk [tilespmem:v3+s21+$0x0], $0xffff  }
0x5a: {  	v10 =	vand.u32 $0xFFFF0000, v1;
	v3 =	vld.idx.msk [tilespmem:v5+s21+$0x0], $0xffff;
	v11 =	vand.u32 $0xFFFF0000, v7  }
0x5b: {  	s9 =	simm.s32 $0x140;
	s10 =	simm.s32 $0x280;
	v7 =	vshll.u32 v7, $0x10;
	v5 =	vmul.f32 v10, v8;
	v8 =	vmul.f32 v11, v9;
	v2 =	vld.idx.msk [tilespmem:v2+s21+$0x0], $0xffff  }
.LBB2_3:
0x5c: {  	p1 =	sne.s32 s10, $0x9B00  }
0x5d: {  	s12 =	sshra.s32 s9, $0x2;
	v9 =	vld [tilespmem:s8+$0xC110];
	s9 =	smov.u32 s10;
	s10 =	sadd.s32 $0x140, s10  }
0x5e: {  	v11 =	vand.u32 $0xFFFF0000, v4;
	v10 =	vld [tilespmem:s12+$0x99B0];
	v7 =	vadd.f32 v7, v8  }
0x5f: {  	v8 =	vld [tilespmem:s12+$0x99C0];
	v6 =	vmul.f32 v11, v6  }
0x60: {  	v4 =	vshll.u32 v4, $0x10;
	v1 =	vshll.u32 v1, $0x10;
	v11 =	vld [tilespmem:s12+$0x7240];
	[tilespmem:s8+$0xE8B0] =	vst v7  }
0x61: {  	v1 =	vadd.f32 v1, v5;
	v7 =	vld [tilespmem:s12+$0x7230];
	v4 =	vadd.f32 v4, v6;
	v6 =	vand.u32 $0xFFFF0000, v3  }
0x62: {  	v12 =	vand.u32 $0xFFFF0000, v2;
	v3 =	vshll.u32 v3, $0x10;
	v5 =	vld [tilespmem:s12+$0x7210];
	v0 =	vmul.f32 v6, v0  }
0x63: {  	v2 =	vshll.u32 v2, $0x10;
	v6 =	vld [tilespmem:s12+$0x7220];
	v13 =	vshra.s32 v10, $0x2;
	[tilespmem:s8+$0xE880] =	vst v4;
	v4 =	vmul.f32 v12, v9  }
0x64: {  	v9 =	vld [tilespmem:s12+$0x7200];
	v12 =	vshra.s32 v8, $0x2;
	v8 =	vshll.u32 v8, $0x3;
	v0 =	vadd.f32 v3, v0;
	[tilespmem:s8+$0xE8C0] =	vst v1  }
0x65: {  	v1 =	vld [tilespmem:s12+$0x9980];
	v3 =	vshra.s32 v11, $0x2;
	v11 =	vshll.u32 v11, $0x3;
	v2 =	vadd.f32 v2, v4  }
0x66: {  	v10 =	vshll.u32 v10, $0x3;
	v4 =	vld [tilespmem:s12+$0x9990];
	v14 =	vshra.s32 v7, $0x2;
	v7 =	vshll.u32 v7, $0x3;
	[tilespmem:s8+$0xE8A0] =	vst v0  }
0x67: {  	v15 =	vld [tilespmem:s12+$0x99A0];
	v16 =	vshra.s32 v5, $0x2;
	v5 =	vshll.u32 v5, $0x3;
	[tilespmem:s8+$0xE890] =	vst v2;
	s8 =	smov.u32 s12  }
0x68: {  	v0 =	vld [tilespmem:s8+$0xC120];
	v2 =	vshra.s32 v6, $0x2;
	v6 =	vshll.u32 v6, $0x3  }
0x69: {  	v17 =	vshra.s32 v9, $0x2;
	v12 =	vld.idx.msk [tilespmem:v12+s4+$0x0], $0xffff;
	v9 =	vshll.u32 v9, $0x3  }
0x6a: {  	v3 =	vld.idx.msk [tilespmem:v3+s4+$0x0], $0xffff;
	v18 =	vshra.s32 v1, $0x2;
	v1 =	vshll.u32 v1, $0x3  }
0x6b: {  	v14 =	vld.idx.msk [tilespmem:v14+s4+$0x0], $0xffff;
	v19 =	vshra.s32 v4, $0x2;
	v4 =	vshll.u32 v4, $0x3  }
0x6c: {  	v20 =	vshra.s32 v15, $0x2;
	v13 =	vld.idx.msk [tilespmem:v13+s4+$0x0], $0xffff;
	v15 =	vshll.u32 v15, $0x3  }
0x6d: {  	v6 =	vand.u32 $0x18, v6;
	v16 =	vld.idx.msk [tilespmem:v16+s4+$0x0], $0xffff  }
0x6e: {  	v10 =	vand.u32 $0x18, v10;
	v8 =	vand.u32 $0x18, v8;
	v5 =	vand.u32 $0x18, v5;
	v17 =	vld.idx.msk [tilespmem:v17+s4+$0x0], $0xffff  }
0x6f: {  	v11 =	vand.u32 $0x18, v11;
	v4 =	vand.u32 $0x18, v4;
	v8 =	vshra.s32 v12, v8;
	v18 =	vld.idx.msk [tilespmem:v18+s4+$0x0], $0xffff  }
0x70: {  	v7 =	vand.u32 $0x18, v7;
	v3 =	vshra.s32 v3, v11;
	v8 =	vand.u32 $0x3F, v8;
	v12 =	vld.idx.msk [tilespmem:v19+s4+$0x0], $0xffff  }
0x71: {  	v9 =	vand.u32 $0x18, v9;
	v7 =	vshra.s32 v14, v7;
	v3 =	vshll.u32 v3, $0x6;
	v2 =	vld.idx.msk [tilespmem:v2+s4+$0x0], $0xffff  }
0x72: {  	v10 =	vshra.s32 v13, v10;
	v7 =	vshll.u32 v7, $0x6;
	v3 =	vand.u32 $0xFC0, v3;
	v11 =	vld.idx.msk [tilespmem:v20+s4+$0x0], $0xffff  }
0x73: {  	v10 =	vand.u32 $0x3F, v10;
	v7 =	vand.u32 $0xFC0, v7;
	v3 =	vor.u32 v3, v8  }
0x74: {  	v1 =	vand.u32 $0x18, v1;
	v8 =	vshra.s32 v17, v9;
	v7 =	vor.u32 v7, v10  }
0x75: {  	v9 =	vand.u32 $0x18, v15;
	v1 =	vshra.s32 v18, v1;
	v8 =	vshll.u32 v8, $0x6  }
0x76: {  	v5 =	vshra.s32 v16, v5;
	v1 =	vand.u32 $0x3F, v1;
	v8 =	vand.u32 $0xFC0, v8  }
0x77: {  	v5 =	vshll.u32 v5, $0x6;
	v2 =	vshra.s32 v2, v6;
	v6 =	vor.u32 v8, v1  }
0x78: {  	v5 =	vand.u32 $0xFC0, v5;
	v8 =	vshra.s32 v11, v9;
	v2 =	vshll.u32 v2, $0x6;
	v1 =	vld.idx.msk [tilespmem:v3+s21+$0x0], $0xffff  }
0x79: {  	v3 =	vshra.s32 v12, v4;
	v4 =	vand.u32 $0x3F, v8;
	v2 =	vand.u32 $0xFC0, v2;
	v7 =	vld.idx.msk [tilespmem:v7+s21+$0x0], $0xffff  }
0x7a: {  	v3 =	vand.u32 $0x3F, v3;
	v2 =	vor.u32 v2, v4;
	v8 =	vld [tilespmem:s8+$0xC140]  }
0x7b: {  	v10 =	vor.u32 v5, v3;
	v9 =	vld [tilespmem:s8+$0xC130]  }
.Ltmp2:
0x7c: {  	v4 =	vld.idx.msk [tilespmem:v6+s21+$0x0], $0xffff;
	(pc) =	sbr.rel @p1 .LBB2_3-.Ltmp2, $4  }
0x7d: {  	_ = 	snop  }
0x7e: {  	v5 =	vand.u32 $0xFFFF0000, v1;
	v6 =	vld [tilespmem:s8+$0xC100]  }
0x7f: {  	v11 =	vand.u32 $0xFFFF0000, v7;
	v7 =	vshll.u32 v7, $0x10;
	v3 =	vld.idx.msk [tilespmem:v2+s21+$0x0], $0xffff;
	v5 =	vmul.f32 v5, v8  }
0x80: {  	v2 =	vld.idx.msk [tilespmem:v10+s21+$0x0], $0xffff;
	v8 =	vmul.f32 v11, v9  }
0x81: {  	s9 =	sshra.s32 s9, $0x2;
	v9 =	vld [tilespmem:s8+$0xC110]  }
0x82: {  	v11 =	vand.u32 $0xFFFF0000, v4;
	v10 =	vld [tilespmem:s9+$0x99B0];
	v7 =	vadd.f32 v7, v8  }
0x83: {  	v8 =	vld [tilespmem:s9+$0x99C0];
	v6 =	vmul.f32 v11, v6  }
0x84: {  	v4 =	vshll.u32 v4, $0x10;
	v12 =	vld [tilespmem:s9+$0x7240];
	[tilespmem:s8+$0xE8B0] =	vst v7  }
0x85: {  	v1 =	vshll.u32 v1, $0x10;
	v13 =	vand.u32 $0xFFFF0000, v3;
	v7 =	vld [tilespmem:s9+$0x7230];
	v4 =	vadd.f32 v4, v6  }
0x86: {  	v1 =	vadd.f32 v1, v5;
	v6 =	vld [tilespmem:s9+$0x7210];
	v0 =	vmul.f32 v13, v0  }
0x87: {  	v3 =	vshll.u32 v3, $0x10;
	v11 =	vld [tilespmem:s9+$0x7220];
	v5 =	vand.u32 $0xFFFF0000, v2;
	[tilespmem:s8+$0xE880] =	vst v4  }
0x88: {  	v0 =	vadd.f32 v3, v0;
	v4 =	vld [tilespmem:s9+$0x7200];
	[tilespmem:s8+$0xE8C0] =	vst v1;
	v1 =	vmul.f32 v5, v9;
	v5 =	vshra.s32 v8, $0x2  }
0x89: {  	v2 =	vshll.u32 v2, $0x10;
	v9 =	vshra.s32 v12, $0x2;
	v3 =	vld [tilespmem:s9+$0x9980]  }
0x8a: {  	v55 =	vld [tilespmem:s9+$0x9990];
	[tilespmem:s8+$0xE8A0] =	vst v0;
	v0 =	vshra.s32 v10, $0x2;
	v1 =	vadd.f32 v2, v1  }
0x8b: {  	v8 =	vshll.u32 v8, $0x3;
	v2 =	vshra.s32 v7, $0x2  }
0x8c: {  	v12 =	vshll.u32 v12, $0x3;
	v10 =	vshll.u32 v10, $0x3;
	v8 =	vand.u32 $0x18, v8;
	v14 =	vld [tilespmem:s9+$0x99A0];
	[tilespmem:s8+$0xE890] =	vst v1  }
0x8d: {  	v12 =	vand.u32 $0x18, v12;
	v7 =	vshll.u32 v7, $0x3;
	v1 =	vshra.s32 v6, $0x2;
	v5 =	vld.idx.msk [tilespmem:v5+s4+$0x0], $0xffff  }
0x8e: {  	v16 =	vshra.s32 v11, $0x2;
	v11 =	vshll.u32 v11, $0x3;
	v15 =	vshra.s32 v4, $0x2;
	v9 =	vld.idx.msk [tilespmem:v9+s4+$0x0], $0xffff  }
0x8f: {  	v10 =	vand.u32 $0x18, v10;
	v11 =	vand.u32 $0x18, v11;
	v17 =	vshra.s32 v3, $0x2;
	v0 =	vld.idx.msk [tilespmem:v0+s4+$0x0], $0xffff  }
0x90: {  	v7 =	vand.u32 $0x18, v7;
	v6 =	vshll.u32 v6, $0x3;
	v4 =	vshll.u32 v4, $0x3;
	v2 =	vld.idx.msk [tilespmem:v2+s4+$0x0], $0xffff  }
0x91: {  	v6 =	vand.u32 $0x18, v6;
	v3 =	vshll.u32 v3, $0x3;
	v19 =	vshra.s32 v14, $0x2  }
0x92: {  	v18 =	vshra.s32 v55, $0x2;
	v13 =	vshll.u32 v55, $0x3;
	v4 =	vand.u32 $0x18, v4;
	v1 =	vld.idx.msk [tilespmem:v1+s4+$0x0], $0xffff  }
0x93: {  	v14 =	vshll.u32 v14, $0x3;
	v13 =	vand.u32 $0x18, v13;
	v15 =	vld.idx.msk [tilespmem:v15+s4+$0x0], $0xffff;
	v5 =	vshra.s32 v5, v8  }
0x94: {  	v3 =	vand.u32 $0x18, v3;
	v8 =	vshra.s32 v9, v12;
	v17 =	vld.idx.msk [tilespmem:v17+s4+$0x0], $0xffff;
	v5 =	vand.u32 $0x3F, v5  }
0x95: {  	v8 =	vshll.u32 v8, $0x6;
	v0 =	vshra.s32 v0, v10;
	v2 =	vshra.s32 v2, v7;
	v7 =	vld.idx.msk [tilespmem:v16+s4+$0x0], $0xffff  }
0x96: {  	v9 =	vld.idx.msk [tilespmem:v19+s4+$0x0], $0xffff;
	v8 =	vand.u32 $0xFC0, v8;
	v0 =	vand.u32 $0x3F, v0;
	v2 =	vshll.u32 v2, $0x6  }
0x97: {  	v10 =	vld.idx.msk [tilespmem:v18+s4+$0x0], $0xffff;
	v5 =	vor.u32 v8, v5;
	v2 =	vand.u32 $0xFC0, v2;
	v1 =	vshra.s32 v1, v6  }
0x98: {  	v4 =	vshra.s32 v15, v4;
	v0 =	vor.u32 v2, v0;
	v1 =	vshll.u32 v1, $0x6  }
0x99: {  	v2 =	vshra.s32 v17, v3;
	v3 =	vand.u32 $0x18, v14;
	v4 =	vshll.u32 v4, $0x6  }
0x9a: {  	v2 =	vand.u32 $0x3F, v2;
	v4 =	vand.u32 $0xFC0, v4;
	v6 =	vshra.s32 v7, v11  }
0x9b: {  	v8 =	vld [tilespmem:s9+$0xC100];
	v3 =	vshra.s32 v9, v3;
	v2 =	vor.u32 v4, v2;
	v4 =	vshll.u32 v6, $0x6  }
0x9c: {  	v7 =	vld [tilespmem:s9+$0xC120];
	v6 =	vshra.s32 v10, v13;
	v3 =	vand.u32 $0x3F, v3;
	v4 =	vand.u32 $0xFC0, v4  }
0x9d: {  	v1 =	vand.u32 $0xFC0, v1;
	v5 =	vld.idx.msk [tilespmem:v5+s21+$0x0], $0xffff;
	v6 =	vand.u32 $0x3F, v6;
	v3 =	vor.u32 v4, v3  }
0x9e: {  	v0 =	vld.idx.msk [tilespmem:v0+s21+$0x0], $0xffff;
	v1 =	vor.u32 v1, v6  }
0x9f: {  	v6 =	vld [tilespmem:s9+$0xC130]  }
0xa0: {  	v2 =	vld.idx.msk [tilespmem:v2+s21+$0x0], $0xffff  }
0xa1: {  	v4 =	vld [tilespmem:s9+$0xC140]  }
0xa2: {  	v3 =	vld.idx.msk [tilespmem:v3+s21+$0x0], $0xffff  }
0xa3: {  	v9 =	vand.u32 $0xFFFF0000, v0;
	v1 =	vld.idx.msk [tilespmem:v1+s21+$0x0], $0xffff  }
0xa4: {  	v6 =	vmul.f32 v9, v6;
	v9 =	vld [tilespmem:s9+$0xC110]  }
0xa5: {  	v10 =	vand.u32 $0xFFFF0000, v5;
	v0 =	vshll.u32 v0, $0x10;
	v11 =	vand.u32 $0xFFFF0000, v2  }
0xa6: {  	v5 =	vshll.u32 v5, $0x10;
	v0 =	vadd.f32 v0, v6;
	v6 =	vmul.f32 v11, v8  }
0xa7: {  	v4 =	vmul.f32 v10, v4;
	v2 =	vshll.u32 v2, $0x10;
	v8 =	vand.u32 $0xFFFF0000, v3  }
0xa8: {  	v2 =	vadd.f32 v2, v6;
	v6 =	vand.u32 $0xFFFF0000, v1;
	v7 =	vmul.f32 v8, v7  }
0xa9: {  	s8 =	smul.u32 $0x4E20, s24;
	[tilespmem:s9+$0xE8B0] =	vst v0;
	v0 =	vadd.f32 v5, v4;
	v3 =	vshll.u32 v3, $0x10;
	v4 =	vmul.f32 v6, v9  }
0xaa: {  	v1 =	vshll.u32 v1, $0x10;
	[tilespmem:s9+$0xE880] =	vst v2;
	v2 =	vadd.f32 v3, v7  }
0xab: {  	s10 =	sadd.s32 s6, s8;
	[tilespmem:s9+$0xE8C0] =	vst v0;
	v0 =	vadd.f32 v1, v4  }
0xac: {  	p1 =	seq.s32 s24, $0x9;
	s10 =	sshrl.u32 s10, $0x3;
	[tilespmem:s9+$0xE8A0] =	vst v2  }
0xad: {  	s13 =	sadd.s32 s3, s10;
	[tilespmem:s9+$0xE890] =	vst v0;
	s9 =	sadd.s32 @!p1 s8, s17  }
0xae: {  	[hbm4b:s13+s4] =	stream.linear.scatter [tilespmem:s30], [sflag:$0x3], $0x2710, $0x38;
	[tilespmem:$0x1AE00] =	vst v63  }
0xaf: {  	s9 =	sshrl.u32 @!p1 s9, $0x3  }
0xb0: {  	s12 =	simm.s32 @!p1 $0x0;
	s13 =	simm.s32 @!p1 $0x7200;
	s10 =	sadd.s32 @!p1 s5, s9  }
0xb1: {  	[tilespmem:s13], [sflag:$0x1] =	stream.linear.gather @!p1 [hbm4b:s10+s12], $0x2710, $0x38;
	[tilespmem:$0x1AE00] =	vst v63  }
0xb2: {  	s10 =	sadd.s32 @!p1 s7, s9;
	s13 =	simm.s32 @!p1 $0x9980  }
0xb3: {  	[tilespmem:s13], [sflag:$0x1] =	stream.linear.gather @!p1 [hbm4b:s10+s12], $0x2710, $0x38;
	[tilespmem:$0x1AE00] =	vst v63  }
0xb4: {  	s9 =	sadd.s32 @!p1 s2, s9;
	s10 =	simm.s32 @!p1 $0xC100  }
0xb5: {  	[tilespmem:s10], [sflag:$0x1] =	stream.linear.gather @!p1 [hbm4b:s9+s12], $0x2710, $0x38;
	[tilespmem:$0x1AE00] =	vst v63  }
0xb6: {  	_ =	swait.ge [sflag:s31], $0x2710  }
0xb7: {  	[sflag:s31] =	ssyncset.done $0x0  }
0xb8: {  	[sflag:s31] =	ssyncadd.s32 $0xFFFFD8F0  }
0xb9: {  	_ =	swait.ge [sflag:s31], $0x2710  }
0xba: {  	[sflag:s31] =	ssyncset.done $0x0  }
0xbb: {  	[sflag:s31] =	ssyncadd.s32 $0xFFFFD8F0  }
0xbc: {  	_ =	swait.ge [sflag:s31], $0x2710  }
0xbd: {  	[sflag:s31] =	ssyncset.done $0x0  }
0xbe: {  	s9 =	simm.s32 @!p0 $0x4;
	[sflag:s31] =	ssyncadd.s32 $0xFFFFD8F0  }
0xbf: {  	_ =	swait.ge @!p0 [sflag:s9], $0x2710  }
0xc0: {  	[sflag:s9] =	ssyncset.done @!p0 $0x0  }
0xc1: {  	[sflag:s9] =	ssyncadd.s32 @!p0 $0xFFFFD8F0;
	s9 =	simm.s32 $0x0  }
0xc2: {  	v1 =	vld [tilespmem:s9+$0x137C0]  }
0xc3: {  	v2 =	vld [tilespmem:s9+$0x11040]  }
0xc4: {  	v3 =	vld [tilespmem:s9+$0x11030]  }
0xc5: {  	v0 =	vld [tilespmem:s9+$0x137B0]  }
0xc6: {  	v4 =	vld [tilespmem:s9+$0x11010]  }
0xc7: {  	v5 =	vld [tilespmem:s9+$0x11020];
	v7 =	vshra.s32 v1, $0x2  }
0xc8: {  	v6 =	vld [tilespmem:s9+$0x11000];
	v9 =	vshra.s32 v2, $0x2  }
0xc9: {  	v8 =	vld [tilespmem:s9+$0x13780];
	v11 =	vshra.s32 v3, $0x2  }
0xca: {  	v10 =	vld [tilespmem:s9+$0x13790];
	v56 =	vshra.s32 v0, $0x2  }
0xcb: {  	v57 =	vld [tilespmem:s9+$0x137A0];
	v1 =	vshll.u32 v1, $0x3  }
0xcc: {  	v2 =	vshll.u32 v2, $0x3;
	v3 =	vshll.u32 v3, $0x3;
	v0 =	vshll.u32 v0, $0x3;
	v7 =	vld.idx.msk [tilespmem:v7+s4+$0x0], $0xffff  }
0xcd: {  	v58 =	vshra.s32 v4, $0x2;
	v4 =	vshll.u32 v4, $0x3;
	v59 =	vshra.s32 v6, $0x2;
	v9 =	vld.idx.msk [tilespmem:v9+s4+$0x0], $0xffff  }
0xce: {  	v60 =	vshra.s32 v5, $0x2;
	v5 =	vshll.u32 v5, $0x3;
	v61 =	vshra.s32 v8, $0x2;
	v11 =	vld.idx.msk [tilespmem:v11+s4+$0x0], $0xffff  }
0xcf: {  	v6 =	vshll.u32 v6, $0x3;
	v8 =	vshll.u32 v8, $0x3;
	v62 =	vshra.s32 v10, $0x2;
	v12 =	vld.idx.msk [tilespmem:v56+s4+$0x0], $0xffff  }
0xd0: {  	v10 =	vshll.u32 v10, $0x3;
	v63 =	vshra.s32 v57, $0x2;
	v13 =	vshll.u32 v57, $0x3  }
0xd1: {  	v5 =	vand.u32 $0x18, v5;
	v4 =	vand.u32 $0x18, v4;
	v0 =	vand.u32 $0x18, v0  }
0xd2: {  	v1 =	vand.u32 $0x18, v1;
	v2 =	vand.u32 $0x18, v2;
	v10 =	vand.u32 $0x18, v10;
	v15 =	vld.idx.msk [tilespmem:v59+s4+$0x0], $0xffff  }
0xd3: {  	v3 =	vand.u32 $0x18, v3;
	v6 =	vand.u32 $0x18, v6;
	v17 =	vld.idx.msk [tilespmem:v61+s4+$0x0], $0xffff;
	v1 =	vshra.s32 v7, v1  }
0xd4: {  	v2 =	vshra.s32 v9, v2;
	v7 =	vld.idx.msk [tilespmem:v58+s4+$0x0], $0xffff;
	v3 =	vshra.s32 v11, v3;
	v0 =	vshra.s32 v12, v0  }
0xd5: {  	v9 =	vld.idx.msk [tilespmem:v60+s4+$0x0], $0xffff;
	v1 =	vand.u32 $0x3F, v1;
	v2 =	vshll.u32 v2, $0x6;
	v3 =	vshll.u32 v3, $0x6  }
0xd6: {  	v11 =	vld.idx.msk [tilespmem:v63+s4+$0x0], $0xffff;
	v0 =	vand.u32 $0x3F, v0;
	v2 =	vand.u32 $0xFC0, v2;
	v3 =	vand.u32 $0xFC0, v3  }
0xd7: {  	v8 =	vand.u32 $0x18, v8;
	v1 =	vor.u32 v2, v1;
	v2 =	vld.idx.msk [tilespmem:v62+s4+$0x0], $0xffff;
	v0 =	vor.u32 v3, v0  }
0xd8: {  	v3 =	vshra.s32 v15, v6;
	v6 =	vshra.s32 v17, v8;
	v8 =	vand.u32 $0x18, v13  }
0xd9: {  	v3 =	vshll.u32 v3, $0x6;
	v6 =	vand.u32 $0x3F, v6;
	v4 =	vshra.s32 v7, v4  }
0xda: {  	v3 =	vand.u32 $0xFC0, v3;
	v5 =	vshra.s32 v9, v5;
	v4 =	vshll.u32 v4, $0x6  }
0xdb: {  	v9 =	vld [tilespmem:s9+$0x15F30];
	v3 =	vor.u32 v3, v6;
	v6 =	vshra.s32 v11, v8;
	v5 =	vshll.u32 v5, $0x6  }
0xdc: {  	v6 =	vand.u32 $0x3F, v6;
	v5 =	vand.u32 $0xFC0, v5;
	v1 =	vld.idx.msk [tilespmem:v1+s21+$0x0], $0xffff;
	v2 =	vshra.s32 v2, v10  }
0xdd: {  	v7 =	vld.idx.msk [tilespmem:v0+s21+$0x0], $0xffff;
	v0 =	vand.u32 $0xFC0, v4;
	v5 =	vor.u32 v5, v6;
	v2 =	vand.u32 $0x3F, v2  }
0xde: {  	v8 =	vld [tilespmem:s9+$0x15F40];
	v2 =	vor.u32 v0, v2  }
0xdf: {  	v6 =	vld [tilespmem:s9+$0x15F00]  }
0xe0: {  	v0 =	vld [tilespmem:s9+$0x15F20]  }
0xe1: {  	v4 =	vld.idx.msk [tilespmem:v3+s21+$0x0], $0xffff  }
0xe2: {  	v10 =	vand.u32 $0xFFFF0000, v1;
	v3 =	vld.idx.msk [tilespmem:v5+s21+$0x0], $0xffff;
	v11 =	vand.u32 $0xFFFF0000, v7  }
0xe3: {  	s10 =	simm.s32 $0x140;
	s12 =	simm.s32 $0x280;
	v7 =	vshll.u32 v7, $0x10;
	v5 =	vmul.f32 v10, v8;
	v8 =	vmul.f32 v11, v9;
	v2 =	vld.idx.msk [tilespmem:v2+s21+$0x0], $0xffff  }
.LBB2_5:
0xe4: {  	p0 =	sne.s32 s12, $0x9B00  }
0xe5: {  	s13 =	sshra.s32 s10, $0x2;
	v9 =	vld [tilespmem:s9+$0x15F10];
	s10 =	smov.u32 s12;
	s12 =	sadd.s32 $0x140, s12  }
0xe6: {  	v11 =	vand.u32 $0xFFFF0000, v4;
	v10 =	vld [tilespmem:s13+$0x137B0];
	v7 =	vadd.f32 v7, v8  }
0xe7: {  	v8 =	vld [tilespmem:s13+$0x137C0];
	v6 =	vmul.f32 v11, v6  }
0xe8: {  	v4 =	vshll.u32 v4, $0x10;
	v1 =	vshll.u32 v1, $0x10;
	v11 =	vld [tilespmem:s13+$0x11040];
	[tilespmem:s9+$0x186B0] =	vst v7  }
0xe9: {  	v1 =	vadd.f32 v1, v5;
	v7 =	vld [tilespmem:s13+$0x11030];
	v4 =	vadd.f32 v4, v6;
	v6 =	vand.u32 $0xFFFF0000, v3  }
0xea: {  	v12 =	vand.u32 $0xFFFF0000, v2;
	v3 =	vshll.u32 v3, $0x10;
	v5 =	vld [tilespmem:s13+$0x11010];
	v0 =	vmul.f32 v6, v0  }
0xeb: {  	v2 =	vshll.u32 v2, $0x10;
	v6 =	vld [tilespmem:s13+$0x11020];
	v13 =	vshra.s32 v10, $0x2;
	[tilespmem:s9+$0x18680] =	vst v4;
	v4 =	vmul.f32 v12, v9  }
0xec: {  	v9 =	vld [tilespmem:s13+$0x11000];
	v12 =	vshra.s32 v8, $0x2;
	v8 =	vshll.u32 v8, $0x3;
	v0 =	vadd.f32 v3, v0;
	[tilespmem:s9+$0x186C0] =	vst v1  }
0xed: {  	v1 =	vld [tilespmem:s13+$0x13780];
	v3 =	vshra.s32 v11, $0x2;
	v11 =	vshll.u32 v11, $0x3;
	v2 =	vadd.f32 v2, v4  }
0xee: {  	v10 =	vshll.u32 v10, $0x3;
	v4 =	vld [tilespmem:s13+$0x13790];
	v14 =	vshra.s32 v7, $0x2;
	v7 =	vshll.u32 v7, $0x3;
	[tilespmem:s9+$0x186A0] =	vst v0  }
0xef: {  	v15 =	vld [tilespmem:s13+$0x137A0];
	v16 =	vshra.s32 v5, $0x2;
	v5 =	vshll.u32 v5, $0x3;
	[tilespmem:s9+$0x18690] =	vst v2;
	s9 =	smov.u32 s13  }
0xf0: {  	v0 =	vld [tilespmem:s9+$0x15F20];
	v2 =	vshra.s32 v6, $0x2;
	v6 =	vshll.u32 v6, $0x3  }
0xf1: {  	v17 =	vshra.s32 v9, $0x2;
	v12 =	vld.idx.msk [tilespmem:v12+s4+$0x0], $0xffff;
	v9 =	vshll.u32 v9, $0x3  }
0xf2: {  	v3 =	vld.idx.msk [tilespmem:v3+s4+$0x0], $0xffff;
	v18 =	vshra.s32 v1, $0x2;
	v1 =	vshll.u32 v1, $0x3  }
0xf3: {  	v14 =	vld.idx.msk [tilespmem:v14+s4+$0x0], $0xffff;
	v19 =	vshra.s32 v4, $0x2;
	v4 =	vshll.u32 v4, $0x3  }
0xf4: {  	v20 =	vshra.s32 v15, $0x2;
	v13 =	vld.idx.msk [tilespmem:v13+s4+$0x0], $0xffff;
	v15 =	vshll.u32 v15, $0x3  }
0xf5: {  	v6 =	vand.u32 $0x18, v6;
	v16 =	vld.idx.msk [tilespmem:v16+s4+$0x0], $0xffff  }
0xf6: {  	v10 =	vand.u32 $0x18, v10;
	v8 =	vand.u32 $0x18, v8;
	v5 =	vand.u32 $0x18, v5;
	v17 =	vld.idx.msk [tilespmem:v17+s4+$0x0], $0xffff  }
0xf7: {  	v11 =	vand.u32 $0x18, v11;
	v4 =	vand.u32 $0x18, v4;
	v8 =	vshra.s32 v12, v8;
	v18 =	vld.idx.msk [tilespmem:v18+s4+$0x0], $0xffff  }
0xf8: {  	v7 =	vand.u32 $0x18, v7;
	v3 =	vshra.s32 v3, v11;
	v8 =	vand.u32 $0x3F, v8;
	v12 =	vld.idx.msk [tilespmem:v19+s4+$0x0], $0xffff  }
0xf9: {  	v9 =	vand.u32 $0x18, v9;
	v7 =	vshra.s32 v14, v7;
	v3 =	vshll.u32 v3, $0x6;
	v2 =	vld.idx.msk [tilespmem:v2+s4+$0x0], $0xffff  }
0xfa: {  	v10 =	vshra.s32 v13, v10;
	v7 =	vshll.u32 v7, $0x6;
	v3 =	vand.u32 $0xFC0, v3;
	v11 =	vld.idx.msk [tilespmem:v20+s4+$0x0], $0xffff  }
0xfb: {  	v10 =	vand.u32 $0x3F, v10;
	v7 =	vand.u32 $0xFC0, v7;
	v3 =	vor.u32 v3, v8  }
0xfc: {  	v1 =	vand.u32 $0x18, v1;
	v8 =	vshra.s32 v17, v9;
	v7 =	vor.u32 v7, v10  }
0xfd: {  	v9 =	vand.u32 $0x18, v15;
	v1 =	vshra.s32 v18, v1;
	v8 =	vshll.u32 v8, $0x6  }
0xfe: {  	v5 =	vshra.s32 v16, v5;
	v1 =	vand.u32 $0x3F, v1;
	v8 =	vand.u32 $0xFC0, v8  }
0xff: {  	v5 =	vshll.u32 v5, $0x6;
	v2 =	vshra.s32 v2, v6;
	v6 =	vor.u32 v8, v1  }
0x100: {  	v5 =	vand.u32 $0xFC0, v5;
	v8 =	vshra.s32 v11, v9;
	v2 =	vshll.u32 v2, $0x6;
	v1 =	vld.idx.msk [tilespmem:v3+s21+$0x0], $0xffff  }
0x101: {  	v3 =	vshra.s32 v12, v4;
	v4 =	vand.u32 $0x3F, v8;
	v2 =	vand.u32 $0xFC0, v2;
	v7 =	vld.idx.msk [tilespmem:v7+s21+$0x0], $0xffff  }
0x102: {  	v3 =	vand.u32 $0x3F, v3;
	v2 =	vor.u32 v2, v4;
	v8 =	vld [tilespmem:s9+$0x15F40]  }
0x103: {  	v10 =	vor.u32 v5, v3;
	v9 =	vld [tilespmem:s9+$0x15F30]  }
.Ltmp3:
0x104: {  	v4 =	vld.idx.msk [tilespmem:v6+s21+$0x0], $0xffff;
	(pc) =	sbr.rel @p0 .LBB2_5-.Ltmp3, $4  }
0x105: {  	_ = 	snop  }
0x106: {  	v5 =	vand.u32 $0xFFFF0000, v1;
	v6 =	vld [tilespmem:s9+$0x15F00]  }
0x107: {  	v11 =	vand.u32 $0xFFFF0000, v7;
	v7 =	vshll.u32 v7, $0x10;
	v3 =	vld.idx.msk [tilespmem:v2+s21+$0x0], $0xffff;
	v5 =	vmul.f32 v5, v8  }
0x108: {  	v2 =	vld.idx.msk [tilespmem:v10+s21+$0x0], $0xffff;
	v8 =	vmul.f32 v11, v9  }
0x109: {  	s10 =	sshra.s32 s10, $0x2;
	v9 =	vld [tilespmem:s9+$0x15F10]  }
0x10a: {  	v11 =	vand.u32 $0xFFFF0000, v4;
	v7 =	vadd.f32 v7, v8;
	v25 =	vld [tilespmem:s10+$0x137C0]  }
0x10b: {  	v12 =	vld [tilespmem:s10+$0x11040];
	v6 =	vmul.f32 v11, v6  }
0x10c: {  	v26 =	vshll.u32 v4, $0x10;
	v10 =	vld [tilespmem:s10+$0x137B0];
	[tilespmem:s9+$0x186B0] =	vst v7  }
0x10d: {  	v1 =	vshll.u32 v1, $0x10;
	v13 =	vand.u32 $0xFFFF0000, v3;
	v7 =	vld [tilespmem:s10+$0x11030];
	v4 =	vadd.f32 v26, v6  }
0x10e: {  	v1 =	vadd.f32 v1, v5;
	v27 =	vld [tilespmem:s10+$0x11010];
	v0 =	vmul.f32 v13, v0;
	v29 =	vand.u32 $0xFFFF0000, v2  }
0x10f: {  	v30 =	vshll.u32 v3, $0x10;
	v28 =	vld [tilespmem:s10+$0x11020];
	v31 =	vmul.f32 v29, v9;
	[tilespmem:s9+$0x18680] =	vst v4;
	v32 =	vshra.s32 v25, $0x2  }
0x110: {  	v34 =	vshll.u32 v2, $0x10;
	v0 =	vadd.f32 v30, v0;
	v35 =	vshra.s32 v12, $0x2;
	v4 =	vld [tilespmem:s10+$0x11000];
	[tilespmem:s9+$0x186C0] =	vst v1  }
0x111: {  	v38 =	vshra.s32 v10, $0x2;
	v1 =	vadd.f32 v34, v31;
	v33 =	vld [tilespmem:s10+$0x13780]  }
0x112: {  	v8 =	vshll.u32 v25, $0x3;
	v36 =	vld [tilespmem:s10+$0x13790];
	[tilespmem:s9+$0x186A0] =	vst v0;
	v37 =	vshra.s32 v7, $0x2  }
0x113: {  	v12 =	vshll.u32 v12, $0x3;
	v10 =	vshll.u32 v10, $0x3;
	v14 =	vld [tilespmem:s10+$0x137A0];
	[tilespmem:s9+$0x18690] =	vst v1;
	v39 =	vshra.s32 v27, $0x2  }
0x114: {  	v10 =	vand.u32 $0x18, v10;
	v8 =	vand.u32 $0x18, v8;
	v16 =	vshra.s32 v28, $0x2;
	v5 =	vld.idx.msk [tilespmem:v32+s4+$0x0], $0xffff  }
0x115: {  	v12 =	vand.u32 $0x18, v12;
	v7 =	vshll.u32 v7, $0x3;
	v11 =	vshll.u32 v28, $0x3;
	v9 =	vld.idx.msk [tilespmem:v35+s4+$0x0], $0xffff  }
0x116: {  	v6 =	vshll.u32 v27, $0x3;
	v11 =	vand.u32 $0x18, v11;
	v0 =	vld.idx.msk [tilespmem:v38+s4+$0x0], $0xffff;
	v15 =	vshra.s32 v4, $0x2  }
0x117: {  	v6 =	vand.u32 $0x18, v6;
	v7 =	vand.u32 $0x18, v7;
	v17 =	vshra.s32 v33, $0x2;
	v2 =	vld.idx.msk [tilespmem:v37+s4+$0x0], $0xffff  }
0x118: {  	v4 =	vshll.u32 v4, $0x3;
	v3 =	vshll.u32 v33, $0x3;
	v18 =	vshra.s32 v36, $0x2;
	v1 =	vld.idx.msk [tilespmem:v39+s4+$0x0], $0xffff  }
0x119: {  	v13 =	vshll.u32 v36, $0x3;
	v4 =	vand.u32 $0x18, v4;
	v19 =	vshra.s32 v14, $0x2;
	v41 =	vld.idx.msk [tilespmem:v16+s4+$0x0], $0xffff  }
0x11a: {  	v14 =	vshll.u32 v14, $0x3;
	v13 =	vand.u32 $0x18, v13;
	v3 =	vand.u32 $0x18, v3  }
0x11b: {  	v45 =	vand.u32 $0x18, v14;
	v5 =	vshra.s32 v5, v8;
	v40 =	vshra.s32 v9, v12;
	v15 =	vld.idx.msk [tilespmem:v15+s4+$0x0], $0xffff  }
0x11c: {  	v0 =	vshra.s32 v0, v10;
	v5 =	vand.u32 $0x3F, v5;
	v8 =	vshll.u32 v40, $0x6;
	v17 =	vld.idx.msk [tilespmem:v17+s4+$0x0], $0xffff  }
0x11d: {  	v0 =	vand.u32 $0x3F, v0;
	v8 =	vand.u32 $0xFC0, v8;
	v43 =	vld.idx.msk [tilespmem:v18+s4+$0x0], $0xffff;
	v2 =	vshra.s32 v2, v7  }
0x11e: {  	v42 =	vld.idx.msk [tilespmem:v19+s4+$0x0], $0xffff;
	v5 =	vor.u32 v8, v5;
	v1 =	vshra.s32 v1, v6;
	v46 =	vshra.s32 v41, v11  }
0x11f: {  	v2 =	vshll.u32 v2, $0x6;
	v1 =	vshll.u32 v1, $0x6;
	v48 =	vshll.u32 v46, $0x6  }
0x120: {  	v2 =	vand.u32 $0xFC0, v2;
	v1 =	vand.u32 $0xFC0, v1;
	v4 =	vshra.s32 v15, v4  }
0x121: {  	v0 =	vor.u32 v2, v0;
	v44 =	vshra.s32 v17, v3;
	v4 =	vshll.u32 v4, $0x6  }
0x122: {  	v50 =	vld [tilespmem:s10+$0x15F40];
	v49 =	vshra.s32 v43, v13;
	v2 =	vand.u32 $0x3F, v44;
	v4 =	vand.u32 $0xFC0, v4  }
0x123: {  	v51 =	vld [tilespmem:s10+$0x15F30];
	v3 =	vshra.s32 v42, v45;
	v6 =	vand.u32 $0x3F, v49;
	v2 =	vor.u32 v4, v2  }
0x124: {  	v52 =	vld [tilespmem:s10+$0x15F00];
	v3 =	vand.u32 $0x3F, v3;
	v4 =	vand.u32 $0xFC0, v48;
	v1 =	vor.u32 v1, v6  }
0x125: {  	v5 =	vld.idx.msk [tilespmem:v5+s21+$0x0], $0xffff;
	v3 =	vor.u32 v4, v3  }
0x126: {  	v0 =	vld.idx.msk [tilespmem:v0+s21+$0x0], $0xffff  }
0x127: {  	v54 =	vld [tilespmem:s10+$0x15F10]  }
0x128: {  	v2 =	vld.idx.msk [tilespmem:v2+s21+$0x0], $0xffff  }
0x129: {  	v1 =	vld.idx.msk [tilespmem:v1+s21+$0x0], $0xffff  }
0x12a: {  	v55 =	vand.u32 $0xFFFF0000, v5;
	v3 =	vld.idx.msk [tilespmem:v3+s21+$0x0], $0xffff  }
0x12b: {  	v47 =	vld [tilespmem:s10+$0x15F20];
	v4 =	vmul.f32 v55, v50;
	v53 =	vand.u32 $0xFFFF0000, v0  }
0x12c: {  	v5 =	vshll.u32 v5, $0x10;
	v6 =	vmul.f32 v53, v51  }
0x12d: {  	v0 =	vshll.u32 v0, $0x10;
	v60 =	vadd.f32 v5, v4;
	v56 =	vand.u32 $0xFFFF0000, v2  }
0x12e: {  	v0 =	vadd.f32 v0, v6;
	v59 =	vand.u32 $0xFFFF0000, v1;
	v57 =	vmul.f32 v56, v52  }
0x12f: {  	v2 =	vshll.u32 v2, $0x10;
	v58 =	vand.u32 $0xFFFF0000, v3;
	v61 =	vmul.f32 v59, v54  }
0x130: {  	[tilespmem:s10+$0x186C0] =	vst v60;
	v1 =	vshll.u32 v1, $0x10;
	v7 =	vmul.f32 v58, v47;
	v2 =	vadd.f32 v2, v57  }
.Ltmp4:
0x131: {  	v3 =	vshll.u32 v3, $0x10;
	[tilespmem:s10+$0x186B0] =	vst v0;
	v63 =	vadd.f32 v1, v61;
	(pc) =	sbr.rel @p1 .LBB2_8-.Ltmp4, $4  }
0x132: {  	s13 =	sadd.s32 s8, s11;
	v62 =	vadd.f32 v3, v7;
	[tilespmem:s10+$0x18680] =	vst v2  }
0x133: {  	s9 =	sshrl.u32 s13, $0x3;
	[tilespmem:s10+$0x18690] =	vst v63  }
0x134: {  	s9 =	sadd.s32 s3, s9;
	[tilespmem:s10+$0x186A0] =	vst v62  }
0x135: {  	[hbm4b:s9+s4] =	stream.linear.scatter [tilespmem:s0], [sflag:$0x4], $0x2710, $0x38;
	[tilespmem:$0x1AE00] =	vst v63  }
0x136: {  	s8 =	sadd.s32 s8, s18  }
0x137: {  	s8 =	sshrl.u32 s8, $0x3  }
0x138: {  	s9 =	sadd.s32 s5, s8  }
0x139: {  	[tilespmem:s25], [sflag:$0x2] =	stream.linear.gather [hbm4b:s9+s4], $0x2710, $0x38;
	[tilespmem:$0x1AE00] =	vst v63  }
.Ltmp5:
0x13a: {  	_ = 	snop;
	(pc) =	sbr.rel .LBB2_2-.Ltmp5, $4  }
0x13b: {  	s13 =	sadd.s32 s7, s8  }
0x13c: {  	[tilespmem:s26], [sflag:$0x2] =	stream.linear.gather [hbm4b:s13+s4], $0x2710, $0x38;
	[tilespmem:$0x1AE00] =	vst v63  }
0x13d: {  	s24 =	sadd.s32 $0x1, s24;
	s8 =	sadd.s32 s2, s8  }
0x13e: {  	[tilespmem:s28], [sflag:$0x2] =	stream.linear.gather [hbm4b:s8+s4], $0x2710, $0x38;
	[tilespmem:$0x1AE00] =	vst v63  }
.LBB2_9:
0x13f: {  	_ =	sfence.sel $0x180000  }
0x140: {  	[bflag:$0x0] =	sbarrier.arrive $0xFFFF  }
0x141: {  	_ =	strace $0x90000047  }
0x142: {  	s0 =	stileid.u32;
	[bflag:$0x2] =	sbarrier.arrive $0xFFFF  }
0x143: {  	p0 =	sne.s32 s0, $0x0;
	s0 =	rddreg [dreg:$0x3]  }
0x144: {  	s0 =	sadd.s32 @!p0 $0x100000, s0  }
0x145: {  	[sflag:s0] =	ssyncadd.tile.s32 @!p0 $0x1;
	_ =	shalt  }
.Lfunc_end2:
_tile_overlayer_lowered:
.L_overlay_start_2:
0x146: {  	(tag) =	ssettag $0x2  }
0x147: {  	s0 =	rddreg [dreg:$0x0];
	s2 =	stileid.u32  }
0x148: {  	s1 =	rddreg [dreg:$0x1];
	p0 =	sne.s32 s2, $0x0  }
0x149: {  	s3 =	rddreg [dreg:$0x2];
	[bflag:$0x3] =	sbarrier.arrive $0xFFFF;
	s2 =	simm.s32 @!p0 $0x1C05  }
0x14a: {  	[timem:s3], [sflag:s2] =	dma.local @!p0 [hbm:s0], s1  }
0x14b: {  	s0 =	simm.s32 @!p0 $0x5  }
0x14c: {  	_ =	swait.ge @!p0 [sflag:s0], s1  }
0x14d: {  	s1 =	ssub.s32 @!p0 $0x0, s1;
	[sflag:s0] =	ssyncset.done @!p0 $0x0  }
0x14e: {  	[sflag:s0] =	ssyncadd.s32 @!p0 s1  }
0x14f: {  	[bflag:$0x3] =	sbarrier.arrive $0xFFFF  }
0x150: {  	_ =	shalt  }

</sc_bundles>
